<compile_context>
chip_gen: v7x
topology: tpu7x:2x2x1
jax: 0.10.2.dev20260603
libtpu: 0.0.44.dev20260713+nightly
codegen_flags: <defaults>
</compile_context>

<pallas_src>
import functools
import math

import jax
import jax.numpy as jnp
from jax import lax
from jax.experimental import pallas as pl
from jax.experimental.pallas import tpu as pltpu
from jax.experimental.pallas import tpu_sc as plsc

_N = 10000
_E = 160000
_G = 64
_DIM = 128
_D = 16
_S = 16
_RFF = 4096
_C = 10
_SCALE = 100.0

_NP = 10240
_EP = 163840
_TN = 1024
_TE = 1024
_NT_N = _NP // _TN
_NT_E = _EP // _TE
_SD = _S * _D
_HI = lax.Precision.HIGHEST


def _node_kernel(x_ref, nw_ref, b_ref, v_ref, lin_ref, nh_ref, accp_ref, acc):
    i = pl.program_id(0)

    @pl.when(i == 0)
    def _init():
        acc[...] = jnp.zeros_like(acc)

    xw = x_ref[...] * nw_ref[...]
    nh = jnp.dot(xw.astype(jnp.bfloat16), v_ref[...],
                 preferred_element_type=jnp.float32)
    nh_ref[...] = nh
    gids = b_ref[0]
    gi = lax.broadcasted_iota(jnp.int32, (_G, _TN), 0)
    oh = (gids == gi).astype(jnp.float32)
    rep = jnp.tile(nh[:, 0:_D], (1, _S))
    bump = 0.5 * jnp.tanh(0.5 * (_SCALE * (lin_ref[...] - rep))) + 0.5
    acc[...] += lax.dot_general(oh, bump, (((1,), (0,)), ((), ())),
                                preferred_element_type=jnp.float32,
                                precision=_HI)

    @pl.when(i == _NT_N - 1)
    def _fin():
        accp_ref[...] = acc[...]


def _edge_kernel(rs_ref, rd_ref, src_ref, ew_ref, br_ref, lin_ref, accp_ref,
                 wrff_ref, brff_ref, lw_ref, lb_ref, logits_ref, flat_ref,
                 acc, st, cmp_ref):
    i = pl.program_id(0)

    @pl.when(i == 0)
    def _init():
        acc[...] = jnp.zeros_like(acc)
        cmp_ref[...] = jnp.zeros_like(cmp_ref)
        br = br_ref[...]
        gi = lax.broadcasted_iota(jnp.int32, (_G, _NP), 0)
        lo = jnp.sum((br < gi).astype(jnp.float32), axis=1, keepdims=True)
        hi = jnp.sum((br <= gi).astype(jnp.float32), axis=1, keepdims=True)
        st[:, 0:1] = lo
        st[:, 1:2] = hi

    @pl.when(i < _NT_E)
    def _acc():
        src_f = src_ref[0].astype(jnp.float32)
        lo = st[:, 0:1]
        hi = st[:, 1:2]
        col = lax.broadcasted_iota(jnp.int32, (1, _TE), 1)
        vm = (i * _TE + col) < _E
        oh = ((src_f >= lo) & (src_f < hi) & vm).astype(jnp.float32)
        eh = jnp.maximum(rs_ref[...], rd_ref[...]) * ew_ref[0]
        rep = jnp.tile(eh, (1, _S))
        bump = 0.5 * jnp.tanh(0.5 * (_SCALE * (lin_ref[...] - rep))) + 0.5
        contrib = lax.dot_general(oh, bump, (((1,), (0,)), ((), ())),
                                  preferred_element_type=jnp.float32,
                                  precision=_HI)
        a0 = acc[...]
        y = contrib - cmp_ref[...]
        t = a0 + y
        cmp_ref[...] = (t - a0) - y
        acc[...] = t

    @pl.when(i == _NT_E)
    def _fin():
        flat = accp_ref[...] - acc[...]
        flat_ref[...] = flat
        z = jnp.dot(flat.astype(jnp.bfloat16), wrff_ref[...],
                    preferred_element_type=jnp.float32) + brff_ref[...]
        phi = math.sqrt(2.0 / _RFF) * jnp.cos(z)
        logits_ref[...] = jnp.dot(phi.astype(jnp.bfloat16), lw_ref[...],
                                  preferred_element_type=jnp.float32) + lb_ref[...]


def _sc_gather(nh_wide, src_flat, dst_flat):
    info = plsc.get_sparse_core_info()
    nw = info.num_cores * info.num_subcores
    pw = _EP // nw
    ch = 64
    nch = pw // ch
    orow = ch * _D // 128
    mesh = plsc.VectorSubcoreMesh(core_axis_name="c", subcore_axis_name="s")

    @functools.partial(
        pl.kernel,
        out_type=(jax.ShapeDtypeStruct((_EP * _D // 128, 128), jnp.float32),
                  jax.ShapeDtypeStruct((_EP * _D // 128, 128), jnp.float32)),
        mesh=mesh,
        scratch_types=[
            pltpu.VMEM_SHARED((_NP, 128), jnp.float32),
            pltpu.VMEM((ch,), jnp.int32),
            pltpu.VMEM((ch,), jnp.int32),
            pltpu.VMEM((ch, 128), jnp.float32),
            pltpu.VMEM((ch, 128), jnp.float32),
            pltpu.VMEM((orow, 128), jnp.float32),
            pltpu.VMEM((orow, 128), jnp.float32),
            pltpu.SemaphoreType.DMA,
            pltpu.SemaphoreType.DMA,
        ],
    )
    def k(nh_hbm, s_hbm, d_hbm, os_hbm, od_hbm,
          nh_sh, sidx, didx, srows, drows, sout, dout, sem_s, sem_d):
        sid = lax.axis_index("s")
        wid = sid * info.num_cores + lax.axis_index("c")
        base = wid * pw

        @pl.when(sid == 0)
        def _stage():
            pltpu.sync_copy(nh_hbm, nh_sh)

        plsc.subcore_barrier()

        def body(j, carry):
            off = pl.multiple_of(base + j * ch, ch)
            pltpu.sync_copy(s_hbm.at[pl.ds(off, ch)], sidx)
            pltpu.sync_copy(d_hbm.at[pl.ds(off, ch)], didx)
            pltpu.sync_copy(nh_sh.at[sidx], srows)
            pltpu.sync_copy(nh_sh.at[didx], drows)
            for r in range(orow):
                for b in range(128 // _D):
                    e = r * (128 // _D) + b
                    sout[r, pl.ds(b * _D, _D)] = srows[e, 0:_D]
                    dout[r, pl.ds(b * _D, _D)] = drows[e, 0:_D]
            obase = pl.multiple_of(off * _D // 128, orow)
            pltpu.sync_copy(sout, os_hbm.at[pl.ds(obase, orow)])
            pltpu.sync_copy(dout, od_hbm.at[pl.ds(obase, orow)])
            return carry

        lax.fori_loop(0, nch, body, 0)

    return k(nh_wide, src_flat, dst_flat)


def kernel(x, node_weights, edge_weights, lin_W, lin_b, batch, edge_index, v,
           lin, W_rff, b_rff):
    f32 = jnp.float32
    x_p = jnp.pad(x, ((0, _NP - _N), (0, 0)))
    nw_p = jnp.pad(node_weights, (0, _NP - _N)).reshape(_NP, 1)
    b_pad = jnp.pad(batch.astype(jnp.int32), (0, _NP - _N),
                    constant_values=_G)
    b2d = b_pad.reshape(_NT_N, 1, _TN)
    b_row = b_pad.reshape(1, _NP)
    src_p = jnp.pad(edge_index[0].astype(jnp.int32), (0, _EP - _E))
    dst_p = jnp.pad(edge_index[1].astype(jnp.int32), (0, _EP - _E))
    src2d = src_p.reshape(_NT_E, 1, _TE)
    ew3d = jnp.pad(edge_weights, (0, _EP - _E)).reshape(_NT_E, _TE, 1)
    lin_row = jnp.repeat(lin.reshape(_S), _D).reshape(1, _SD)
    brff_row = b_rff.reshape(1, _RFF)
    lw_pad = jnp.pad(lin_W, ((0, 0), (0, 128 - _C)))
    lb_pad = jnp.pad(lin_b, (0, 128 - _C)).reshape(1, 128)

    nh_pad, acc_pts = pl.pallas_call(
        _node_kernel,
        grid=(_NT_N,),
        in_specs=[
            pl.BlockSpec((_TN, _DIM), lambda i: (i, 0)),
            pl.BlockSpec((_TN, 1), lambda i: (i, 0)),
            pl.BlockSpec((1, 1, _TN), lambda i: (i, 0, 0)),
            pl.BlockSpec((_DIM, 128), lambda i: (0, 0)),
            pl.BlockSpec((1, _SD), lambda i: (0, 0)),
        ],
        out_specs=[
            pl.BlockSpec((_TN, 128), lambda i: (i, 0)),
            pl.BlockSpec((_G, _SD), lambda i: (0, 0)),
        ],
        out_shape=[
            jax.ShapeDtypeStruct((_NP, 128), f32),
            jax.ShapeDtypeStruct((_G, _SD), f32),
        ],
        scratch_shapes=[pltpu.VMEM((_G, _SD), f32)],
    )(x_p, nw_p, b2d,
      jnp.pad(v.astype(jnp.bfloat16), ((0, 0), (0, 128 - _D))), lin_row)

    rows_s1, rows_d1 = _sc_gather(nh_pad, src_p, dst_p)
    rows_s = rows_s1.reshape(_EP, _D)
    rows_d = rows_d1.reshape(_EP, _D)

    clamp = _NT_E - 1
    logits_pad, flat = pl.pallas_call(
        _edge_kernel,
        grid=(_NT_E + 1,),
        in_specs=[
            pl.BlockSpec((_TE, _D), lambda i: (jnp.minimum(i, clamp), 0)),
            pl.BlockSpec((_TE, _D), lambda i: (jnp.minimum(i, clamp), 0)),
            pl.BlockSpec((1, 1, _TE), lambda i: (jnp.minimum(i, clamp), 0, 0)),
            pl.BlockSpec((1, _TE, 1), lambda i: (jnp.minimum(i, clamp), 0, 0)),
            pl.BlockSpec((1, _NP), lambda i: (0, 0)),
            pl.BlockSpec((1, _SD), lambda i: (0, 0)),
            pl.BlockSpec((_G, _SD), lambda i: (0, 0)),
            pl.BlockSpec((_SD, _RFF), lambda i: (0, 0)),
            pl.BlockSpec((1, _RFF), lambda i: (0, 0)),
            pl.BlockSpec((_RFF, 128), lambda i: (0, 0)),
            pl.BlockSpec((1, 128), lambda i: (0, 0)),
        ],
        out_specs=[
            pl.BlockSpec((_G, 128), lambda i: (0, 0)),
            pl.BlockSpec((_G, _SD), lambda i: (0, 0)),
        ],
        out_shape=[
            jax.ShapeDtypeStruct((_G, 128), f32),
            jax.ShapeDtypeStruct((_G, _SD), f32),
        ],
        scratch_shapes=[
            pltpu.VMEM((_G, _SD), f32),
            pltpu.VMEM((_G, 128), f32),
            pltpu.VMEM((_G, _SD), f32),
        ],
    )(rows_s, rows_d, src2d, ew3d, b_row, lin_row, acc_pts,
      W_rff.astype(jnp.bfloat16), brff_row, lw_pad.astype(jnp.bfloat16),
      lb_pad)

    return (logits_pad[:, :_C], flat)

# --- scband reference (transcript-rebuilt; emitter-appended) ---
"""Pipeline reference for scband-wdect-rbfsvm-15942918603131 (READ-ONLY COPY).

The authoritative reference and input builder live on the scoring server;
editing this copy changes nothing except your own understanding.
"""

import math
import jax, jax.numpy as jnp
import numpy as np

N = 10000
E = 160000
G = 64
DIM = 128
D = 16
S = 16
RFF = 4096
C = 10
RADIUS = 1.0
GAMMA = 0.1
SCALE = 100.0


def setup_inputs(seed: int = 0) -> dict:
    key = jax.random.key(seed)
    ks = jax.random.split(key, 10)
    x = jax.random.normal(ks[0], (N, DIM), dtype=jnp.float32)
    node_weights = jax.random.uniform(ks[1], (N,), dtype=jnp.float32)
    batch = jnp.sort(jax.random.randint(ks[2], (N,), 0, G))
    edge_index = jax.random.randint(ks[3], (2, E), 0, N)
    edge_weights = jax.random.uniform(ks[4], (E,), dtype=jnp.float32)
    v = jax.random.normal(ks[5], (DIM, D), dtype=jnp.float32)
    v = v / jnp.linalg.norm(v, axis=0, keepdims=True)
    lin = jnp.linspace(-RADIUS, RADIUS, S).reshape(S, 1, 1, 1).astype(jnp.float32)
    W_rff = jax.random.normal(ks[6], (D * S, RFF), dtype=jnp.float32) * math.sqrt(2.0 * GAMMA)
    b_rff = 2.0 * math.pi * jax.random.uniform(ks[7], (RFF,), dtype=jnp.float32)
    lin_W = jax.random.normal(ks[8], (RFF, C), dtype=jnp.float32) * (1.0 / math.sqrt(RFF))
    lin_b = jnp.zeros((C,), dtype=jnp.float32)
    return {
        'x': x,
        'node_weights': node_weights,
        'edge_weights': edge_weights,
        'lin_W': lin_W,
        'lin_b': lin_b,
        'batch': batch,
        'edge_index': edge_index,
        'v': v,
        'lin': lin,
        'W_rff': W_rff,
        'b_rff': b_rff,
    }


def compute_ecc(nh, index, lin):
    # nh: [M, D]; lin: [S,1,1,1] -> bump indicator [S,1,M,D]
    ecc = jax.nn.sigmoid(SCALE * (lin - nh))
    ecc = jnp.moveaxis(ecc, 2, 0)  # [M, S, 1, D]
    return jax.ops.segment_sum(ecc, index, num_segments=G)  # [G, S, 1, D]


def reference(x, node_weights, edge_weights, lin_W, lin_b, batch, edge_index, v, lin, W_rff, b_rff):
    # WDECTLayer
    nh = (x * node_weights[:, None]) @ v  # [N, D]
    ecc_pts = compute_ecc(nh, batch, lin)
    eh = jnp.max(nh[edge_index], axis=0)  # [E, D] (gather + max over edge endpoints)
    eh = eh * edge_weights[:, None]
    idx_e = batch[edge_index[0]]
    ecc_edge = compute_ecc(eh, idx_e, lin)
    ecc = ecc_pts - ecc_edge  # [G, S, 1, D]
    wfeat = jnp.squeeze(ecc, axis=2)  # normalized=False -> squeeze
    flat = wfeat.reshape(G, -1)  # [G, S*D]
    # RFFMapping
    phi = math.sqrt(2.0 / RFF) * jnp.cos(flat @ W_rff + b_rff)
    # Linear head
    logits = phi @ lin_W + lin_b
    return (logits, flat)

if __name__ == "__main__":
    import jax
    _d = setup_inputs()
    print(jax.jit(kernel)(*tuple(_d.values())))

</pallas_src>

<mosaic_0001>
#map = affine_map<(d0, d1) -> (0, 0)>
#map1 = affine_map<(d0, d1) -> (0)>
module attributes {stable_mosaic.version = 14 : i64} {
  func.func @k(%arg0: i32, %arg1: i32, %arg2: memref<10240x128xf32, #tpu.memory_space<hbm>>, %arg3: memref<163840xi32, #tpu.memory_space<hbm>>, %arg4: memref<163840xi32, #tpu.memory_space<hbm>>, %arg5: memref<20480x128xf32, #tpu.memory_space<hbm>>, %arg6: memref<20480x128xf32, #tpu.memory_space<hbm>>, %arg7: memref<10240x128xf32, #tpu.memory_space<vmem_shared>>, %arg8: memref<64xi32, #tpu.memory_space<vmem>>, %arg9: memref<64xi32, #tpu.memory_space<vmem>>, %arg10: memref<64x128xf32, #tpu.memory_space<vmem>>, %arg11: memref<64x128xf32, #tpu.memory_space<vmem>>, %arg12: memref<8x128xf32, #tpu.memory_space<vmem>>, %arg13: memref<8x128xf32, #tpu.memory_space<vmem>>, %arg14: memref<!tpu.dma_semaphore, #tpu.memory_space<semaphore_mem>>, %arg15: memref<!tpu.dma_semaphore, #tpu.memory_space<semaphore_mem>>) attributes {dimension_semantics = [#tpu.dimension_semantics<core_parallel>, #tpu.dimension_semantics<subcore_parallel>], iteration_bounds = array<i64: 2, 16>, scalar_prefetch = 0 : i64, scratch_operands = 9 : i64, tpu.core_type = #tpu.core_type<sc_vector_subcore>, window_params = [{transform_indices = #map}, {transform_indices = #map1}, {transform_indices = #map1}, {transform_indices = #map}, {transform_indices = #map}]} {
    %mul3A = arith.constant 2 : i32
    %mul3A_0 = arith.muli %arg1, %mul3A : i32
    %add3A = arith.addi %mul3A_0, %arg0 : i32
    %mul3A_1 = arith.constant 5120 : i32
    %mul3A_2 = arith.muli %add3A, %mul3A_1 : i32
    %eq3A = arith.constant 0 : i32
    %eq3A_3 = arith.cmpi eq, %arg1, %eq3A : i32
    %convert_element_type3A = arith.extui %eq3A_3 : i1 to i32
    %cond3A = arith.constant 0 : i32
    %cond3A_4 = arith.cmpi ne, %convert_element_type3A, %cond3A : i32
    scf.if %cond3A_4 {
      "tpu.region"() ({
        %run_scoped3A = tpu.sem_alloc : memref<!tpu.dma_semaphore, #tpu.memory_space<semaphore_mem>>
        tpu.enqueue_dma source(%arg2 : memref<10240x128xf32, #tpu.memory_space<hbm>>) target(%arg7 : memref<10240x128xf32, #tpu.memory_space<vmem_shared>>) target_semaphore(%run_scoped3A : memref<!tpu.dma_semaphore, #tpu.memory_space<semaphore_mem>>)
        tpu.wait_dma2 semaphore(%run_scoped3A : memref<!tpu.dma_semaphore, #tpu.memory_space<semaphore_mem>>) src(%arg2 : memref<10240x128xf32, #tpu.memory_space<hbm>>) dst(%arg7 : memref<10240x128xf32, #tpu.memory_space<vmem_shared>>)
        tpu.yield
      }) : () -> ()
    } else {
    }
    %barrier3A = arith.constant 0 : index
    tpu.barrier barrier_id(%barrier3A)
    %scan3A = arith.constant 0 : i32
    %scan3A_5 = arith.constant 0 : i32
    %scan3A_6 = arith.constant 80 : i32
    %scan3A_7 = arith.addi %scan3A_5, %scan3A_6 : i32
    %scan3A_8 = arith.constant 1 : i32
    scf.for %scan3A_10 = %scan3A_5 to %scan3A_7 step %scan3A_8  : i32 {
      %mul3A_11 = arith.constant 64 : i32
      %mul3A_12 = arith.muli %scan3A_10, %mul3A_11 : i32
      %add3A_13 = arith.addi %mul3A_2, %mul3A_12 : i32
      %multiple_of3A = tpu.assume_multiple %add3A_13, 64 : i32
      "tpu.region"() ({
        %run_scoped3A = tpu.sem_alloc : memref<!tpu.dma_semaphore, #tpu.memory_space<semaphore_mem>>
        %dma_start3A = tpu.memref_slice %arg3[%multiple_of3A] : memref<163840xi32, #tpu.memory_space<hbm>> -> memref<64xi32, #tpu.memory_space<hbm>>
        %dma_start3A_1439 = tpu.memref_slice %arg3[%multiple_of3A] : memref<163840xi32, #tpu.memory_space<hbm>> -> memref<64xi32, #tpu.memory_space<hbm>>
        tpu.enqueue_dma source(%dma_start3A_1439 : memref<64xi32, #tpu.memory_space<hbm>>) target(%arg8 : memref<64xi32, #tpu.memory_space<vmem>>) target_semaphore(%run_scoped3A : memref<!tpu.dma_semaphore, #tpu.memory_space<semaphore_mem>>)
        %dma_wait3A = tpu.memref_slice %arg3[%multiple_of3A] : memref<163840xi32, #tpu.memory_space<hbm>> -> memref<64xi32, #tpu.memory_space<hbm>>
        %dma_wait3A_1440 = tpu.memref_slice %arg3[%multiple_of3A] : memref<163840xi32, #tpu.memory_space<hbm>> -> memref<64xi32, #tpu.memory_space<hbm>>
        tpu.wait_dma2 semaphore(%run_scoped3A : memref<!tpu.dma_semaphore, #tpu.memory_space<semaphore_mem>>) src(%dma_wait3A_1440 : memref<64xi32, #tpu.memory_space<hbm>>) dst(%arg8 : memref<64xi32, #tpu.memory_space<vmem>>)
        tpu.yield
      }) : () -> ()
      "tpu.region"() ({
        %run_scoped3A = tpu.sem_alloc : memref<!tpu.dma_semaphore, #tpu.memory_space<semaphore_mem>>
        %dma_start3A = tpu.memref_slice %arg4[%multiple_of3A] : memref<163840xi32, #tpu.memory_space<hbm>> -> memref<64xi32, #tpu.memory_space<hbm>>
        %dma_start3A_1439 = tpu.memref_slice %arg4[%multiple_of3A] : memref<163840xi32, #tpu.memory_space<hbm>> -> memref<64xi32, #tpu.memory_space<hbm>>
        tpu.enqueue_dma source(%dma_start3A_1439 : memref<64xi32, #tpu.memory_space<hbm>>) target(%arg9 : memref<64xi32, #tpu.memory_space<vmem>>) target_semaphore(%run_scoped3A : memref<!tpu.dma_semaphore, #tpu.memory_space<semaphore_mem>>)
        %dma_wait3A = tpu.memref_slice %arg4[%multiple_of3A] : memref<163840xi32, #tpu.memory_space<hbm>> -> memref<64xi32, #tpu.memory_space<hbm>>
        %dma_wait3A_1440 = tpu.memref_slice %arg4[%multiple_of3A] : memref<163840xi32, #tpu.memory_space<hbm>> -> memref<64xi32, #tpu.memory_space<hbm>>
        tpu.wait_dma2 semaphore(%run_scoped3A : memref<!tpu.dma_semaphore, #tpu.memory_space<semaphore_mem>>) src(%dma_wait3A_1440 : memref<64xi32, #tpu.memory_space<hbm>>) dst(%arg9 : memref<64xi32, #tpu.memory_space<vmem>>)
        tpu.yield
      }) : () -> ()
      "tpu.region"() ({
        %run_scoped3A = tpu.sem_alloc : memref<!tpu.dma_semaphore, #tpu.memory_space<semaphore_mem>>
        %dma_start3A = arith.constant 0 : i32
        %dma_start3A_1439 = arith.constant 0 : i32
        %dma_start3A_1440 = tpu.memref_slice %arg7[%dma_start3A, %dma_start3A_1439] : memref<10240x128xf32, #tpu.memory_space<vmem_shared>> -> memref<10240x128xf32, #tpu.memory_space<vmem_shared>>
        tpu.enqueue_indirect_dma source(%dma_start3A_1440 : memref<10240x128xf32, #tpu.memory_space<vmem_shared>>) target(%arg10 : memref<64x128xf32, #tpu.memory_space<vmem>>) offsets(%arg8 : memref<64xi32, #tpu.memory_space<vmem>>) semaphore(%run_scoped3A : memref<!tpu.dma_semaphore, #tpu.memory_space<semaphore_mem>>)
        %dma_wait3A = arith.constant 0 : i32
        %dma_wait3A_1441 = arith.constant 0 : i32
        %dma_wait3A_1442 = tpu.memref_slice %arg7[%dma_wait3A, %dma_wait3A_1441] : memref<10240x128xf32, #tpu.memory_space<vmem_shared>> -> memref<10240x128xf32, #tpu.memory_space<vmem_shared>>
        tpu.wait_indirect_dma semaphore(%run_scoped3A : memref<!tpu.dma_semaphore, #tpu.memory_space<semaphore_mem>>) src(%dma_wait3A_1442 : memref<10240x128xf32, #tpu.memory_space<vmem_shared>>) dst(%arg10 : memref<64x128xf32, #tpu.memory_space<vmem>>)
        tpu.yield
      }) : () -> ()
      "tpu.region"() ({
        %run_scoped3A = tpu.sem_alloc : memref<!tpu.dma_semaphore, #tpu.memory_space<semaphore_mem>>
        %dma_start3A = arith.constant 0 : i32
        %dma_start3A_1439 = arith.constant 0 : i32
        %dma_start3A_1440 = tpu.memref_slice %arg7[%dma_start3A, %dma_start3A_1439] : memref<10240x128xf32, #tpu.memory_space<vmem_shared>> -> memref<10240x128xf32, #tpu.memory_space<vmem_shared>>
        tpu.enqueue_indirect_dma source(%dma_start3A_1440 : memref<10240x128xf32, #tpu.memory_space<vmem_shared>>) target(%arg11 : memref<64x128xf32, #tpu.memory_space<vmem>>) offsets(%arg9 : memref<64xi32, #tpu.memory_space<vmem>>) semaphore(%run_scoped3A : memref<!tpu.dma_semaphore, #tpu.memory_space<semaphore_mem>>)
        %dma_wait3A = arith.constant 0 : i32
        %dma_wait3A_1441 = arith.constant 0 : i32
        %dma_wait3A_1442 = tpu.memref_slice %arg7[%dma_wait3A, %dma_wait3A_1441] : memref<10240x128xf32, #tpu.memory_space<vmem_shared>> -> memref<10240x128xf32, #tpu.memory_space<vmem_shared>>
        tpu.wait_indirect_dma semaphore(%run_scoped3A : memref<!tpu.dma_semaphore, #tpu.memory_space<semaphore_mem>>) src(%dma_wait3A_1442 : memref<10240x128xf32, #tpu.memory_space<vmem_shared>>) dst(%arg11 : memref<64x128xf32, #tpu.memory_space<vmem>>)
        tpu.yield
      }) : () -> ()
      %get3A = arith.constant 0 : i32
      %get3A_14 = arith.index_cast %get3A : i32 to index
      %get3A_15 = arith.constant 0 : index
      %get3A_16 = tpu.vector_load %arg10[%get3A_14, %get3A_15] {strides = array<i32>} : memref<64x128xf32, #tpu.memory_space<vmem>>, vector<1x16xf32>,
      %get3A_17 = vector.shape_cast %get3A_16 : vector<1x16xf32> to vector<16xf32>
      %swap3A = arith.constant 0 : i32
      %swap3A_18 = arith.index_cast %swap3A : i32 to index
      %swap3A_19 = arith.constant 0 : index
      %swap3A_20 = tpu.vector_load %arg12[%swap3A_18, %swap3A_19] {strides = array<i32>} : memref<8x128xf32, #tpu.memory_space<vmem>>, vector<1x16xf32>,
      %swap3A_21 = vector.shape_cast %swap3A_20 : vector<1x16xf32> to vector<16xf32>
      %swap3A_22 = vector.shape_cast %get3A_17 : vector<16xf32> to vector<1x16xf32>
      tpu.vector_store %arg12[%swap3A_18, %swap3A_19], %swap3A_22 {strides = array<i32>} : memref<8x128xf32, #tpu.memory_space<vmem>>, vector<1x16xf32>,
      %get3A_23 = arith.constant 0 : i32
      %get3A_24 = arith.index_cast %get3A_23 : i32 to index
      %get3A_25 = arith.constant 0 : index
      %get3A_26 = tpu.vector_load %arg11[%get3A_24, %get3A_25] {strides = array<i32>} : memref<64x128xf32, #tpu.memory_space<vmem>>, vector<1x16xf32>,
      %get3A_27 = vector.shape_cast %get3A_26 : vector<1x16xf32> to vector<16xf32>
      %swap3A_28 = arith.constant 0 : i32
      %swap3A_29 = arith.index_cast %swap3A_28 : i32 to index
      %swap3A_30 = arith.constant 0 : index
      %swap3A_31 = tpu.vector_load %arg13[%swap3A_29, %swap3A_30] {strides = array<i32>} : memref<8x128xf32, #tpu.memory_space<vmem>>, vector<1x16xf32>,
      %swap3A_32 = vector.shape_cast %swap3A_31 : vector<1x16xf32> to vector<16xf32>
      %swap3A_33 = vector.shape_cast %get3A_27 : vector<16xf32> to vector<1x16xf32>
      tpu.vector_store %arg13[%swap3A_29, %swap3A_30], %swap3A_33 {strides = array<i32>} : memref<8x128xf32, #tpu.memory_space<vmem>>, vector<1x16xf32>,
      %get3A_34 = arith.constant 1 : i32
      %get3A_35 = arith.index_cast %get3A_34 : i32 to index
      %get3A_36 = arith.constant 0 : index
      %get3A_37 = tpu.vector_load %arg10[%get3A_35, %get3A_36] {strides = array<i32>} : memref<64x128xf32, #tpu.memory_space<vmem>>, vector<1x16xf32>,
      %get3A_38 = vector.shape_cast %get3A_37 : vector<1x16xf32> to vector<16xf32>
      %swap3A_39 = arith.constant 0 : i32
      %swap3A_40 = arith.index_cast %swap3A_39 : i32 to index
      %swap3A_41 = arith.constant 16 : index
      %swap3A_42 = tpu.vector_load %arg12[%swap3A_40, %swap3A_41] {strides = array<i32>} : memref<8x128xf32, #tpu.memory_space<vmem>>, vector<1x16xf32>,
      %swap3A_43 = vector.shape_cast %swap3A_42 : vector<1x16xf32> to vector<16xf32>
      %swap3A_44 = vector.shape_cast %get3A_38 : vector<16xf32> to vector<1x16xf32>
      tpu.vector_store %arg12[%swap3A_40, %swap3A_41], %swap3A_44 {strides = array<i32>} : memref<8x128xf32, #tpu.memory_space<vmem>>, vector<1x16xf32>,
      %get3A_45 = arith.constant 1 : i32
      %get3A_46 = arith.index_cast %get3A_45 : i32 to index
      %get3A_47 = arith.constant 0 : index
      %get3A_48 = tpu.vector_load %arg11[%get3A_46, %get3A_47] {strides = array<i32>} : memref<64x128xf32, #tpu.memory_space<vmem>>, vector<1x16xf32>,
      %get3A_49 = vector.shape_cast %get3A_48 : vector<1x16xf32> to vector<16xf32>
      %swap3A_50 = arith.constant 0 : i32
      %swap3A_51 = arith.index_cast %swap3A_50 : i32 to index
      %swap3A_52 = arith.constant 16 : index
      %swap3A_53 = tpu.vector_load %arg13[%swap3A_51, %swap3A_52] {strides = array<i32>} : memref<8x128xf32, #tpu.memory_space<vmem>>, vector<1x16xf32>,
      %swap3A_54 = vector.shape_cast %swap3A_53 : vector<1x16xf32> to vector<16xf32>
      %swap3A_55 = vector.shape_cast %get3A_49 : vector<16xf32> to vector<1x16xf32>
      tpu.vector_store %arg13[%swap3A_51, %swap3A_52], %swap3A_55 {strides = array<i32>} : memref<8x128xf32, #tpu.memory_space<vmem>>, vector<1x16xf32>,
      %get3A_56 = arith.constant 2 : i32
      %get3A_57 = arith.index_cast %get3A_56 : i32 to index
      %get3A_58 = arith.constant 0 : index
      %get3A_59 = tpu.vector_load %arg10[%get3A_57, %get3A_58] {strides = array<i32>} : memref<64x128xf32, #tpu.memory_space<vmem>>, vector<1x16xf32>,
      %get3A_60 = vector.shape_cast %get3A_59 : vector<1x16xf32> to vector<16xf32>
      %swap3A_61 = arith.constant 0 : i32
      %swap3A_62 = arith.index_cast %swap3A_61 : i32 to index
      %swap3A_63 = arith.constant 32 : index
      %swap3A_64 = tpu.vector_load %arg12[%swap3A_62, %swap3A_63] {strides = array<i32>} : memref<8x128xf32, #tpu.memory_space<vmem>>, vector<1x16xf32>,
      %swap3A_65 = vector.shape_cast %swap3A_64 : vector<1x16xf32> to vector<16xf32>
      %swap3A_66 = vector.shape_cast %get3A_60 : vector<16xf32> to vector<1x16xf32>
      tpu.vector_store %arg12[%swap3A_62, %swap3A_63], %swap3A_66 {strides = array<i32>} : memref<8x128xf32, #tpu.memory_space<vmem>>, vector<1x16xf32>,
      %get3A_67 = arith.constant 2 : i32
      %get3A_68 = arith.index_cast %get3A_67 : i32 to index
      %get3A_69 = arith.constant 0 : index
      %get3A_70 = tpu.vector_load %arg11[%get3A_68, %get3A_69] {strides = array<i32>} : memref<64x128xf32, #tpu.memory_space<vmem>>, vector<1x16xf32>,
      %get3A_71 = vector.shape_cast %get3A_70 : vector<1x16xf32> to vector<16xf32>
      %swap3A_72 = arith.constant 0 : i32
      %swap3A_73 = arith.index_cast %swap3A_72 : i32 to index
      %swap3A_74 = arith.constant 32 : index
      %swap3A_75 = tpu.vector_load %arg13[%swap3A_73, %swap3A_74] {strides = array<i32>} : memref<8x128xf32, #tpu.memory_space<vmem>>, vector<1x16xf32>,
      %swap3A_76 = vector.shape_cast %swap3A_75 : vector<1x16xf32> to vector<16xf32>
      %swap3A_77 = vector.shape_cast %get3A_71 : vector<16xf32> to vector<1x16xf32>
      tpu.vector_store %arg13[%swap3A_73, %swap3A_74], %swap3A_77 {strides = array<i32>} : memref<8x128xf32, #tpu.memory_space<vmem>>, vector<1x16xf32>,
      %get3A_78 = arith.constant 3 : i32
      %get3A_79 = arith.index_cast %get3A_78 : i32 to index
      %get3A_80 = arith.constant 0 : index
      %get3A_81 = tpu.vector_load %arg10[%get3A_79, %get3A_80] {strides = array<i32>} : memref<64x128xf32, #tpu.memory_space<vmem>>, vector<1x16xf32>,
      %get3A_82 = vector.shape_cast %get3A_81 : vector<1x16xf32> to vector<16xf32>
      %swap3A_83 = arith.constant 0 : i32
      %swap3A_84 = arith.index_cast %swap3A_83 : i32 to index
      %swap3A_85 = arith.constant 48 : index
      %swap3A_86 = tpu.vector_load %arg12[%swap3A_84, %swap3A_85] {strides = array<i32>} : memref<8x128xf32, #tpu.memory_space<vmem>>, vector<1x16xf32>,
      %swap3A_87 = vector.shape_cast %swap3A_86 : vector<1x16xf32> to vector<16xf32>
      %swap3A_88 = vector.shape_cast %get3A_82 : vector<16xf32> to vector<1x16xf32>
      tpu.vector_store %arg12[%swap3A_84, %swap3A_85], %swap3A_88 {strides = array<i32>} : memref<8x128xf32, #tpu.memory_space<vmem>>, vector<1x16xf32>,
      %get3A_89 = arith.constant 3 : i32
      %get3A_90 = arith.index_cast %get3A_89 : i32 to index
      %get3A_91 = arith.constant 0 : index
      %get3A_92 = tpu.vector_load %arg11[%get3A_90, %get3A_91] {strides = array<i32>} : memref<64x128xf32, #tpu.memory_space<vmem>>, vector<1x16xf32>,
      %get3A_93 = vector.shape_cast %get3A_92 : vector<1x16xf32> to vector<16xf32>
      %swap3A_94 = arith.constant 0 : i32
      %swap3A_95 = arith.index_cast %swap3A_94 : i32 to index
      %swap3A_96 = arith.constant 48 : index
      %swap3A_97 = tpu.vector_load %arg13[%swap3A_95, %swap3A_96] {strides = array<i32>} : memref<8x128xf32, #tpu.memory_space<vmem>>, vector<1x16xf32>,
      %swap3A_98 = vector.shape_cast %swap3A_97 : vector<1x16xf32> to vector<16xf32>
      %swap3A_99 = vector.shape_cast %get3A_93 : vector<16xf32> to vector<1x16xf32>
      tpu.vector_store %arg13[%swap3A_95, %swap3A_96], %swap3A_99 {strides = array<i32>} : memref<8x128xf32, #tpu.memory_space<vmem>>, vector<1x16xf32>,
      %get3A_100 = arith.constant 4 : i32
      %get3A_101 = arith.index_cast %get3A_100 : i32 to index
      %get3A_102 = arith.constant 0 : index
      %get3A_103 = tpu.vector_load %arg10[%get3A_101, %get3A_102] {strides = array<i32>} : memref<64x128xf32, #tpu.memory_space<vmem>>, vector<1x16xf32>,
      %get3A_104 = vector.shape_cast %get3A_103 : vector<1x16xf32> to vector<16xf32>
      %swap3A_105 = arith.constant 0 : i32
      %swap3A_106 = arith.index_cast %swap3A_105 : i32 to index
      %swap3A_107 = arith.constant 64 : index
      %swap3A_108 = tpu.vector_load %arg12[%swap3A_106, %swap3A_107] {strides = array<i32>} : memref<8x128xf32, #tpu.memory_space<vmem>>, vector<1x16xf32>,
      %swap3A_109 = vector.shape_cast %swap3A_108 : vector<1x16xf32> to vector<16xf32>
      %swap3A_110 = vector.shape_cast %get3A_104 : vector<16xf32> to vector<1x16xf32>
      tpu.vector_store %arg12[%swap3A_106, %swap3A_107], %swap3A_110 {strides = array<i32>} : memref<8x128xf32, #tpu.memory_space<vmem>>, vector<1x16xf32>,
      %get3A_111 = arith.constant 4 : i32
      %get3A_112 = arith.index_cast %get3A_111 : i32 to index
      %get3A_113 = arith.constant 0 : index
      %get3A_114 = tpu.vector_load %arg11[%get3A_112, %get3A_113] {strides = array<i32>} : memref<64x128xf32, #tpu.memory_space<vmem>>, vector<1x16xf32>,
      %get3A_115 = vector.shape_cast %get3A_114 : vector<1x16xf32> to vector<16xf32>
      %swap3A_116 = arith.constant 0 : i32
      %swap3A_117 = arith.index_cast %swap3A_116 : i32 to index
      %swap3A_118 = arith.constant 64 : index
      %swap3A_119 = tpu.vector_load %arg13[%swap3A_117, %swap3A_118] {strides = array<i32>} : memref<8x128xf32, #tpu.memory_space<vmem>>, vector<1x16xf32>,
      %swap3A_120 = vector.shape_cast %swap3A_119 : vector<1x16xf32> to vector<16xf32>
      %swap3A_121 = vector.shape_cast %get3A_115 : vector<16xf32> to vector<1x16xf32>
      tpu.vector_store %arg13[%swap3A_117, %swap3A_118], %swap3A_121 {strides = array<i32>} : memref<8x128xf32, #tpu.memory_space<vmem>>, vector<1x16xf32>,
      %get3A_122 = arith.constant 5 : i32
      %get3A_123 = arith.index_cast %get3A_122 : i32 to index
      %get3A_124 = arith.constant 0 : index
      %get3A_125 = tpu.vector_load %arg10[%get3A_123, %get3A_124] {strides = array<i32>} : memref<64x128xf32, #tpu.memory_space<vmem>>, vector<1x16xf32>,
      %get3A_126 = vector.shape_cast %get3A_125 : vector<1x16xf32> to vector<16xf32>
      %swap3A_127 = arith.constant 0 : i32
      %swap3A_128 = arith.index_cast %swap3A_127 : i32 to index
      %swap3A_129 = arith.constant 80 : index
      %swap3A_130 = tpu.vector_load %arg12[%swap3A_128, %swap3A_129] {strides = array<i32>} : memref<8x128xf32, #tpu.memory_space<vmem>>, vector<1x16xf32>,
      %swap3A_131 = vector.shape_cast %swap3A_130 : vector<1x16xf32> to vector<16xf32>
      %swap3A_132 = vector.shape_cast %get3A_126 : vector<16xf32> to vector<1x16xf32>
      tpu.vector_store %arg12[%swap3A_128, %swap3A_129], %swap3A_132 {strides = array<i32>} : memref<8x128xf32, #tpu.memory_space<vmem>>, vector<1x16xf32>,
      %get3A_133 = arith.constant 5 : i32
      %get3A_134 = arith.index_cast %get3A_133 : i32 to index
      %get3A_135 = arith.constant 0 : index
      %get3A_136 = tpu.vector_load %arg11[%get3A_134, %get3A_135] {strides = array<i32>} : memref<64x128xf32, #tpu.memory_space<vmem>>, vector<1x16xf32>,
      %get3A_137 = vector.shape_cast %get3A_136 : vector<1x16xf32> to vector<16xf32>
      %swap3A_138 = arith.constant 0 : i32
      %swap3A_139 = arith.index_cast %swap3A_138 : i32 to index
      %swap3A_140 = arith.constant 80 : index
      %swap3A_141 = tpu.vector_load %arg13[%swap3A_139, %swap3A_140] {strides = array<i32>} : memref<8x128xf32, #tpu.memory_space<vmem>>, vector<1x16xf32>,
      %swap3A_142 = vector.shape_cast %swap3A_141 : vector<1x16xf32> to vector<16xf32>
      %swap3A_143 = vector.shape_cast %get3A_137 : vector<16xf32> to vector<1x16xf32>
      tpu.vector_store %arg13[%swap3A_139, %swap3A_140], %swap3A_143 {strides = array<i32>} : memref<8x128xf32, #tpu.memory_space<vmem>>, vector<1x16xf32>,
      %get3A_144 = arith.constant 6 : i32
      %get3A_145 = arith.index_cast %get3A_144 : i32 to index
      %get3A_146 = arith.constant 0 : index
      %get3A_147 = tpu.vector_load %arg10[%get3A_145, %get3A_146] {strides = array<i32>} : memref<64x128xf32, #tpu.memory_space<vmem>>, vector<1x16xf32>,
      %get3A_148 = vector.shape_cast %get3A_147 : vector<1x16xf32> to vector<16xf32>
      %swap3A_149 = arith.constant 0 : i32
      %swap3A_150 = arith.index_cast %swap3A_149 : i32 to index
      %swap3A_151 = arith.constant 96 : index
      %swap3A_152 = tpu.vector_load %arg12[%swap3A_150, %swap3A_151] {strides = array<i32>} : memref<8x128xf32, #tpu.memory_space<vmem>>, vector<1x16xf32>,
      %swap3A_153 = vector.shape_cast %swap3A_152 : vector<1x16xf32> to vector<16xf32>
      %swap3A_154 = vector.shape_cast %get3A_148 : vector<16xf32> to vector<1x16xf32>
      tpu.vector_store %arg12[%swap3A_150, %swap3A_151], %swap3A_154 {strides = array<i32>} : memref<8x128xf32, #tpu.memory_space<vmem>>, vector<1x16xf32>,
      %get3A_155 = arith.constant 6 : i32
      %get3A_156 = arith.index_cast %get3A_155 : i32 to index
      %get3A_157 = arith.constant 0 : index
      %get3A_158 = tpu.vector_load %arg11[%get3A_156, %get3A_157] {strides = array<i32>} : memref<64x128xf32, #tpu.memory_space<vmem>>, vector<1x16xf32>,
      %get3A_159 = vector.shape_cast %get3A_158 : vector<1x16xf32> to vector<16xf32>
      %swap3A_160 = arith.constant 0 : i32
      %swap3A_161 = arith.index_cast %swap3A_160 : i32 to index
      %swap3A_162 = arith.constant 96 : index
      %swap3A_163 = tpu.vector_load %arg13[%swap3A_161, %swap3A_162] {strides = array<i32>} : memref<8x128xf32, #tpu.memory_space<vmem>>, vector<1x16xf32>,
      %swap3A_164 = vector.shape_cast %swap3A_163 : vector<1x16xf32> to vector<16xf32>
      %swap3A_165 = vector.shape_cast %get3A_159 : vector<16xf32> to vector<1x16xf32>
      tpu.vector_store %arg13[%swap3A_161, %swap3A_162], %swap3A_165 {strides = array<i32>} : memref<8x128xf32, #tpu.memory_space<vmem>>, vector<1x16xf32>,
      %get3A_166 = arith.constant 7 : i32
      %get3A_167 = arith.index_cast %get3A_166 : i32 to index
      %get3A_168 = arith.constant 0 : index
      %get3A_169 = tpu.vector_load %arg10[%get3A_167, %get3A_168] {strides = array<i32>} : memref<64x128xf32, #tpu.memory_space<vmem>>, vector<1x16xf32>,
      %get3A_170 = vector.shape_cast %get3A_169 : vector<1x16xf32> to vector<16xf32>
      %swap3A_171 = arith.constant 0 : i32
      %swap3A_172 = arith.index_cast %swap3A_171 : i32 to index
      %swap3A_173 = arith.constant 112 : index
      %swap3A_174 = tpu.vector_load %arg12[%swap3A_172, %swap3A_173] {strides = array<i32>} : memref<8x128xf32, #tpu.memory_space<vmem>>, vector<1x16xf32>,
      %swap3A_175 = vector.shape_cast %swap3A_174 : vector<1x16xf32> to vector<16xf32>
      %swap3A_176 = vector.shape_cast %get3A_170 : vector<16xf32> to vector<1x16xf32>
      tpu.vector_store %arg12[%swap3A_172, %swap3A_173], %swap3A_176 {strides = array<i32>} : memref<8x128xf32, #tpu.memory_space<vmem>>, vector<1x16xf32>,
      %get3A_177 = arith.constant 7 : i32
      %get3A_178 = arith.index_cast %get3A_177 : i32 to index
      %get3A_179 = arith.constant 0 : index
      %get3A_180 = tpu.vector_load %arg11[%get3A_178, %get3A_179] {strides = array<i32>} : memref<64x128xf32, #tpu.memory_space<vmem>>, vector<1x16xf32>,
      %get3A_181 = vector.shape_cast %get3A_180 : vector<1x16xf32> to vector<16xf32>
      %swap3A_182 = arith.constant 0 : i32
      %swap3A_183 = arith.index_cast %swap3A_182 : i32 to index
      %swap3A_184 = arith.constant 112 : index
      %swap3A_185 = tpu.vector_load %arg13[%swap3A_183, %swap3A_184] {strides = array<i32>} : memref<8x128xf32, #tpu.memory_space<vmem>>, vector<1x16xf32>,
      %swap3A_186 = vector.shape_cast %swap3A_185 : vector<1x16xf32> to vector<16xf32>
      %swap3A_187 = vector.shape_cast %get3A_181 : vector<16xf32> to vector<1x16xf32>
      tpu.vector_store %arg13[%swap3A_183, %swap3A_184], %swap3A_187 {strides = array<i32>} : memref<8x128xf32, #tpu.memory_space<vmem>>, vector<1x16xf32>,
      %get3A_188 = arith.constant 8 : i32
      %get3A_189 = arith.index_cast %get3A_188 : i32 to index
      %get3A_190 = arith.constant 0 : index
      %get3A_191 = tpu.vector_load %arg10[%get3A_189, %get3A_190] {strides = array<i32>} : memref<64x128xf32, #tpu.memory_space<vmem>>, vector<1x16xf32>,
      %get3A_192 = vector.shape_cast %get3A_191 : vector<1x16xf32> to vector<16xf32>
      %swap3A_193 = arith.constant 1 : i32
      %swap3A_194 = arith.index_cast %swap3A_193 : i32 to index
      %swap3A_195 = arith.constant 0 : index
      %swap3A_196 = tpu.vector_load %arg12[%swap3A_194, %swap3A_195] {strides = array<i32>} : memref<8x128xf32, #tpu.memory_space<vmem>>, vector<1x16xf32>,
      %swap3A_197 = vector.shape_cast %swap3A_196 : vector<1x16xf32> to vector<16xf32>
      %swap3A_198 = vector.shape_cast %get3A_192 : vector<16xf32> to vector<1x16xf32>
      tpu.vector_store %arg12[%swap3A_194, %swap3A_195], %swap3A_198 {strides = array<i32>} : memref<8x128xf32, #tpu.memory_space<vmem>>, vector<1x16xf32>,
      %get3A_199 = arith.constant 8 : i32
      %get3A_200 = arith.index_cast %get3A_199 : i32 to index
      %get3A_201 = arith.constant 0 : index
      %get3A_202 = tpu.vector_load %arg11[%get3A_200, %get3A_201] {strides = array<i32>} : memref<64x128xf32, #tpu.memory_space<vmem>>, vector<1x16xf32>,
      %get3A_203 = vector.shape_cast %get3A_202 : vector<1x16xf32> to vector<16xf32>
      %swap3A_204 = arith.constant 1 : i32
      %swap3A_205 = arith.index_cast %swap3A_204 : i32 to index
      %swap3A_206 = arith.constant 0 : index
      %swap3A_207 = tpu.vector_load %arg13[%swap3A_205, %swap3A_206] {strides = array<i32>} : memref<8x128xf32, #tpu.memory_space<vmem>>, vector<1x16xf32>,
      %swap3A_208 = vector.shape_cast %swap3A_207 : vector<1x16xf32> to vector<16xf32>
      %swap3A_209 = vector.shape_cast %get3A_203 : vector<16xf32> to vector<1x16xf32>
      tpu.vector_store %arg13[%swap3A_205, %swap3A_206], %swap3A_209 {strides = array<i32>} : memref<8x128xf32, #tpu.memory_space<vmem>>, vector<1x16xf32>,
      %get3A_210 = arith.constant 9 : i32
      %get3A_211 = arith.index_cast %get3A_210 : i32 to index
      %get3A_212 = arith.constant 0 : index
      %get3A_213 = tpu.vector_load %arg10[%get3A_211, %get3A_212] {strides = array<i32>} : memref<64x128xf32, #tpu.memory_space<vmem>>, vector<1x16xf32>,
      %get3A_214 = vector.shape_cast %get3A_213 : vector<1x16xf32> to vector<16xf32>
      %swap3A_215 = arith.constant 1 : i32
      %swap3A_216 = arith.index_cast %swap3A_215 : i32 to index
      %swap3A_217 = arith.constant 16 : index
      %swap3A_218 = tpu.vector_load %arg12[%swap3A_216, %swap3A_217] {strides = array<i32>} : memref<8x128xf32, #tpu.memory_space<vmem>>, vector<1x16xf32>,
      %swap3A_219 = vector.shape_cast %swap3A_218 : vector<1x16xf32> to vector<16xf32>
      %swap3A_220 = vector.shape_cast %get3A_214 : vector<16xf32> to vector<1x16xf32>
      tpu.vector_store %arg12[%swap3A_216, %swap3A_217], %swap3A_220 {strides = array<i32>} : memref<8x128xf32, #tpu.memory_space<vmem>>, vector<1x16xf32>,
      %get3A_221 = arith.constant 9 : i32
      %get3A_222 = arith.index_cast %get3A_221 : i32 to index
      %get3A_223 = arith.constant 0 : index
      %get3A_224 = tpu.vector_load %arg11[%get3A_222, %get3A_223] {strides = array<i32>} : memref<64x128xf32, #tpu.memory_space<vmem>>, vector<1x16xf32>,
      %get3A_225 = vector.shape_cast %get3A_224 : vector<1x16xf32> to vector<16xf32>
      %swap3A_226 = arith.constant 1 : i32
      %swap3A_227 = arith.index_cast %swap3A_226 : i32 to index
      %swap3A_228 = arith.constant 16 : index
      %swap3A_229 = tpu.vector_load %arg13[%swap3A_227, %swap3A_228] {strides = array<i32>} : memref<8x128xf32, #tpu.memory_space<vmem>>, vector<1x16xf32>,
      %swap3A_230 = vector.shape_cast %swap3A_229 : vector<1x16xf32> to vector<16xf32>
      %swap3A_231 = vector.shape_cast %get3A_225 : vector<16xf32> to vector<1x16xf32>
      tpu.vector_store %arg13[%swap3A_227, %swap3A_228], %swap3A_231 {strides = array<i32>} : memref<8x128xf32, #tpu.memory_space<vmem>>, vector<1x16xf32>,
      %get3A_232 = arith.constant 10 : i32
      %get3A_233 = arith.index_cast %get3A_232 : i32 to index
      %get3A_234 = arith.constant 0 : index
      %get3A_235 = tpu.vector_load %arg10[%get3A_233, %get3A_234] {strides = array<i32>} : memref<64x128xf32, #tpu.memory_space<vmem>>, vector<1x16xf32>,
      %get3A_236 = vector.shape_cast %get3A_235 : vector<1x16xf32> to vector<16xf32>
      %swap3A_237 = arith.constant 1 : i32
      %swap3A_238 = arith.index_cast %swap3A_237 : i32 to index
      %swap3A_239 = arith.constant 32 : index
      %swap3A_240 = tpu.vector_load %arg12[%swap3A_238, %swap3A_239] {strides = array<i32>} : memref<8x128xf32, #tpu.memory_space<vmem>>, vector<1x16xf32>,
      %swap3A_241 = vector.shape_cast %swap3A_240 : vector<1x16xf32> to vector<16xf32>
      %swap3A_242 = vector.shape_cast %get3A_236 : vector<16xf32> to vector<1x16xf32>
      tpu.vector_store %arg12[%swap3A_238, %swap3A_239], %swap3A_242 {strides = array<i32>} : memref<8x128xf32, #tpu.memory_space<vmem>>, vector<1x16xf32>,
      %get3A_243 = arith.constant 10 : i32
      %get3A_244 = arith.index_cast %get3A_243 : i32 to index
      %get3A_245 = arith.constant 0 : index
      %get3A_246 = tpu.vector_load %arg11[%get3A_244, %get3A_245] {strides = array<i32>} : memref<64x128xf32, #tpu.memory_space<vmem>>, vector<1x16xf32>,
      %get3A_247 = vector.shape_cast %get3A_246 : vector<1x16xf32> to vector<16xf32>
      %swap3A_248 = arith.constant 1 : i32
      %swap3A_249 = arith.index_cast %swap3A_248 : i32 to index
      %swap3A_250 = arith.constant 32 : index
      %swap3A_251 = tpu.vector_load %arg13[%swap3A_249, %swap3A_250] {strides = array<i32>} : memref<8x128xf32, #tpu.memory_space<vmem>>, vector<1x16xf32>,
      %swap3A_252 = vector.shape_cast %swap3A_251 : vector<1x16xf32> to vector<16xf32>
      %swap3A_253 = vector.shape_cast %get3A_247 : vector<16xf32> to vector<1x16xf32>
      tpu.vector_store %arg13[%swap3A_249, %swap3A_250], %swap3A_253 {strides = array<i32>} : memref<8x128xf32, #tpu.memory_space<vmem>>, vector<1x16xf32>,
      %get3A_254 = arith.constant 11 : i32
      %get3A_255 = arith.index_cast %get3A_254 : i32 to index
      %get3A_256 = arith.constant 0 : index
      %get3A_257 = tpu.vector_load %arg10[%get3A_255, %get3A_256] {strides = array<i32>} : memref<64x128xf32, #tpu.memory_space<vmem>>, vector<1x16xf32>,
      %get3A_258 = vector.shape_cast %get3A_257 : vector<1x16xf32> to vector<16xf32>
      %swap3A_259 = arith.constant 1 : i32
      %swap3A_260 = arith.index_cast %swap3A_259 : i32 to index
      %swap3A_261 = arith.constant 48 : index
      %swap3A_262 = tpu.vector_load %arg12[%swap3A_260, %swap3A_261] {strides = array<i32>} : memref<8x128xf32, #tpu.memory_space<vmem>>, vector<1x16xf32>,
      %swap3A_263 = vector.shape_cast %swap3A_262 : vector<1x16xf32> to vector<16xf32>
      %swap3A_264 = vector.shape_cast %get3A_258 : vector<16xf32> to vector<1x16xf32>
      tpu.vector_store %arg12[%swap3A_260, %swap3A_261], %swap3A_264 {strides = array<i32>} : memref<8x128xf32, #tpu.memory_space<vmem>>, vector<1x16xf32>,
      %get3A_265 = arith.constant 11 : i32
      %get3A_266 = arith.index_cast %get3A_265 : i32 to index
      %get3A_267 = arith.constant 0 : index
      %get3A_268 = tpu.vector_load %arg11[%get3A_266, %get3A_267] {strides = array<i32>} : memref<64x128xf32, #tpu.memory_space<vmem>>, vector<1x16xf32>,
      %get3A_269 = vector.shape_cast %get3A_268 : vector<1x16xf32> to vector<16xf32>
      %swap3A_270 = arith.constant 1 : i32
      %swap3A_271 = arith.index_cast %swap3A_270 : i32 to index
      %swap3A_272 = arith.constant 48 : index
      %swap3A_273 = tpu.vector_load %arg13[%swap3A_271, %swap3A_272] {strides = array<i32>} : memref<8x128xf32, #tpu.memory_space<vmem>>, vector<1x16xf32>,
      %swap3A_274 = vector.shape_cast %swap3A_273 : vector<1x16xf32> to vector<16xf32>
      %swap3A_275 = vector.shape_cast %get3A_269 : vector<16xf32> to vector<1x16xf32>
      tpu.vector_store %arg13[%swap3A_271, %swap3A_272], %swap3A_275 {strides = array<i32>} : memref<8x128xf32, #tpu.memory_space<vmem>>, vector<1x16xf32>,
      %get3A_276 = arith.constant 12 : i32
      %get3A_277 = arith.index_cast %get3A_276 : i32 to index
      %get3A_278 = arith.constant 0 : index
      %get3A_279 = tpu.vector_load %arg10[%get3A_277, %get3A_278] {strides = array<i32>} : memref<64x128xf32, #tpu.memory_space<vmem>>, vector<1x16xf32>,
      %get3A_280 = vector.shape_cast %get3A_279 : vector<1x16xf32> to vector<16xf32>
      %swap3A_281 = arith.constant 1 : i32
      %swap3A_282 = arith.index_cast %swap3A_281 : i32 to index
      %swap3A_283 = arith.constant 64 : index
      %swap3A_284 = tpu.vector_load %arg12[%swap3A_282, %swap3A_283] {strides = array<i32>} : memref<8x128xf32, #tpu.memory_space<vmem>>, vector<1x16xf32>,
      %swap3A_285 = vector.shape_cast %swap3A_284 : vector<1x16xf32> to vector<16xf32>
      %swap3A_286 = vector.shape_cast %get3A_280 : vector<16xf32> to vector<1x16xf32>
      tpu.vector_store %arg12[%swap3A_282, %swap3A_283], %swap3A_286 {strides = array<i32>} : memref<8x128xf32, #tpu.memory_space<vmem>>, vector<1x16xf32>,
      %get3A_287 = arith.constant 12 : i32
      %get3A_288 = arith.index_cast %get3A_287 : i32 to index
      %get3A_289 = arith.constant 0 : index
      %get3A_290 = tpu.vector_load %arg11[%get3A_288, %get3A_289] {strides = array<i32>} : memref<64x128xf32, #tpu.memory_space<vmem>>, vector<1x16xf32>,
      %get3A_291 = vector.shape_cast %get3A_290 : vector<1x16xf32> to vector<16xf32>
      %swap3A_292 = arith.constant 1 : i32
      %swap3A_293 = arith.index_cast %swap3A_292 : i32 to index
      %swap3A_294 = arith.constant 64 : index
      %swap3A_295 = tpu.vector_load %arg13[%swap3A_293, %swap3A_294] {strides = array<i32>} : memref<8x128xf32, #tpu.memory_space<vmem>>, vector<1x16xf32>,
      %swap3A_296 = vector.shape_cast %swap3A_295 : vector<1x16xf32> to vector<16xf32>
      %swap3A_297 = vector.shape_cast %get3A_291 : vector<16xf32> to vector<1x16xf32>
      tpu.vector_store %arg13[%swap3A_293, %swap3A_294], %swap3A_297 {strides = array<i32>} : memref<8x128xf32, #tpu.memory_space<vmem>>, vector<1x16xf32>,
      %get3A_298 = arith.constant 13 : i32
      %get3A_299 = arith.index_cast %get3A_298 : i32 to index
      %get3A_300 = arith.constant 0 : index
      %get3A_301 = tpu.vector_load %arg10[%get3A_299, %get3A_300] {strides = array<i32>} : memref<64x128xf32, #tpu.memory_space<vmem>>, vector<1x16xf32>,
      %get3A_302 = vector.shape_cast %get3A_301 : vector<1x16xf32> to vector<16xf32>
      %swap3A_303 = arith.constant 1 : i32
      %swap3A_304 = arith.index_cast %swap3A_303 : i32 to index
      %swap3A_305 = arith.constant 80 : index
      %swap3A_306 = tpu.vector_load %arg12[%swap3A_304, %swap3A_305] {strides = array<i32>} : memref<8x128xf32, #tpu.memory_space<vmem>>, vector<1x16xf32>,
      %swap3A_307 = vector.shape_cast %swap3A_306 : vector<1x16xf32> to vector<16xf32>
      %swap3A_308 = vector.shape_cast %get3A_302 : vector<16xf32> to vector<1x16xf32>
      tpu.vector_store %arg12[%swap3A_304, %swap3A_305], %swap3A_308 {strides = array<i32>} : memref<8x128xf32, #tpu.memory_space<vmem>>, vector<1x16xf32>,
      %get3A_309 = arith.constant 13 : i32
      %get3A_310 = arith.index_cast %get3A_309 : i32 to index
      %get3A_311 = arith.constant 0 : index
      %get3A_312 = tpu.vector_load %arg11[%get3A_310, %get3A_311] {strides = array<i32>} : memref<64x128xf32, #tpu.memory_space<vmem>>, vector<1x16xf32>,
      %get3A_313 = vector.shape_cast %get3A_312 : vector<1x16xf32> to vector<16xf32>
      %swap3A_314 = arith.constant 1 : i32
      %swap3A_315 = arith.index_cast %swap3A_314 : i32 to index
      %swap3A_316 = arith.constant 80 : index
      %swap3A_317 = tpu.vector_load %arg13[%swap3A_315, %swap3A_316] {strides = array<i32>} : memref<8x128xf32, #tpu.memory_space<vmem>>, vector<1x16xf32>,
      %swap3A_318 = vector.shape_cast %swap3A_317 : vector<1x16xf32> to vector<16xf32>
      %swap3A_319 = vector.shape_cast %get3A_313 : vector<16xf32> to vector<1x16xf32>
      tpu.vector_store %arg13[%swap3A_315, %swap3A_316], %swap3A_319 {strides = array<i32>} : memref<8x128xf32, #tpu.memory_space<vmem>>, vector<1x16xf32>,
      %get3A_320 = arith.constant 14 : i32
      %get3A_321 = arith.index_cast %get3A_320 : i32 to index
      %get3A_322 = arith.constant 0 : index
      %get3A_323 = tpu.vector_load %arg10[%get3A_321, %get3A_322] {strides = array<i32>} : memref<64x128xf32, #tpu.memory_space<vmem>>, vector<1x16xf32>,
      %get3A_324 = vector.shape_cast %get3A_323 : vector<1x16xf32> to vector<16xf32>
      %swap3A_325 = arith.constant 1 : i32
      %swap3A_326 = arith.index_cast %swap3A_325 : i32 to index
      %swap3A_327 = arith.constant 96 : index
      %swap3A_328 = tpu.vector_load %arg12[%swap3A_326, %swap3A_327] {strides = array<i32>} : memref<8x128xf32, #tpu.memory_space<vmem>>, vector<1x16xf32>,
      %swap3A_329 = vector.shape_cast %swap3A_328 : vector<1x16xf32> to vector<16xf32>
      %swap3A_330 = vector.shape_cast %get3A_324 : vector<16xf32> to vector<1x16xf32>
      tpu.vector_store %arg12[%swap3A_326, %swap3A_327], %swap3A_330 {strides = array<i32>} : memref<8x128xf32, #tpu.memory_space<vmem>>, vector<1x16xf32>,
      %get3A_331 = arith.constant 14 : i32
      %get3A_332 = arith.index_cast %get3A_331 : i32 to index
      %get3A_333 = arith.constant 0 : index
      %get3A_334 = tpu.vector_load %arg11[%get3A_332, %get3A_333] {strides = array<i32>} : memref<64x128xf32, #tpu.memory_space<vmem>>, vector<1x16xf32>,
      %get3A_335 = vector.shape_cast %get3A_334 : vector<1x16xf32> to vector<16xf32>
      %swap3A_336 = arith.constant 1 : i32
      %swap3A_337 = arith.index_cast %swap3A_336 : i32 to index
      %swap3A_338 = arith.constant 96 : index
      %swap3A_339 = tpu.vector_load %arg13[%swap3A_337, %swap3A_338] {strides = array<i32>} : memref<8x128xf32, #tpu.memory_space<vmem>>, vector<1x16xf32>,
      %swap3A_340 = vector.shape_cast %swap3A_339 : vector<1x16xf32> to vector<16xf32>
      %swap3A_341 = vector.shape_cast %get3A_335 : vector<16xf32> to vector<1x16xf32>
      tpu.vector_store %arg13[%swap3A_337, %swap3A_338], %swap3A_341 {strides = array<i32>} : memref<8x128xf32, #tpu.memory_space<vmem>>, vector<1x16xf32>,
      %get3A_342 = arith.constant 15 : i32
      %get3A_343 = arith.index_cast %get3A_342 : i32 to index
      %get3A_344 = arith.constant 0 : index
      %get3A_345 = tpu.vector_load %arg10[%get3A_343, %get3A_344] {strides = array<i32>} : memref<64x128xf32, #tpu.memory_space<vmem>>, vector<1x16xf32>,
      %get3A_346 = vector.shape_cast %get3A_345 : vector<1x16xf32> to vector<16xf32>
      %swap3A_347 = arith.constant 1 : i32
      %swap3A_348 = arith.index_cast %swap3A_347 : i32 to index
      %swap3A_349 = arith.constant 112 : index
      %swap3A_350 = tpu.vector_load %arg12[%swap3A_348, %swap3A_349] {strides = array<i32>} : memref<8x128xf32, #tpu.memory_space<vmem>>, vector<1x16xf32>,
      %swap3A_351 = vector.shape_cast %swap3A_350 : vector<1x16xf32> to vector<16xf32>
      %swap3A_352 = vector.shape_cast %get3A_346 : vector<16xf32> to vector<1x16xf32>
      tpu.vector_store %arg12[%swap3A_348, %swap3A_349], %swap3A_352 {strides = array<i32>} : memref<8x128xf32, #tpu.memory_space<vmem>>, vector<1x16xf32>,
      %get3A_353 = arith.constant 15 : i32
      %get3A_354 = arith.index_cast %get3A_353 : i32 to index
      %get3A_355 = arith.constant 0 : index
      %get3A_356 = tpu.vector_load %arg11[%get3A_354, %get3A_355] {strides = array<i32>} : memref<64x128xf32, #tpu.memory_space<vmem>>, vector<1x16xf32>,
      %get3A_357 = vector.shape_cast %get3A_356 : vector<1x16xf32> to vector<16xf32>
      %swap3A_358 = arith.constant 1 : i32
      %swap3A_359 = arith.index_cast %swap3A_358 : i32 to index
      %swap3A_360 = arith.constant 112 : index
      %swap3A_361 = tpu.vector_load %arg13[%swap3A_359, %swap3A_360] {strides = array<i32>} : memref<8x128xf32, #tpu.memory_space<vmem>>, vector<1x16xf32>,
      %swap3A_362 = vector.shape_cast %swap3A_361 : vector<1x16xf32> to vector<16xf32>
      %swap3A_363 = vector.shape_cast %get3A_357 : vector<16xf32> to vector<1x16xf32>
      tpu.vector_store %arg13[%swap3A_359, %swap3A_360], %swap3A_363 {strides = array<i32>} : memref<8x128xf32, #tpu.memory_space<vmem>>, vector<1x16xf32>,
      %get3A_364 = arith.constant 16 : i32
      %get3A_365 = arith.index_cast %get3A_364 : i32 to index
      %get3A_366 = arith.constant 0 : index
      %get3A_367 = tpu.vector_load %arg10[%get3A_365, %get3A_366] {strides = array<i32>} : memref<64x128xf32, #tpu.memory_space<vmem>>, vector<1x16xf32>,
      %get3A_368 = vector.shape_cast %get3A_367 : vector<1x16xf32> to vector<16xf32>
      %swap3A_369 = arith.constant 2 : i32
      %swap3A_370 = arith.index_cast %swap3A_369 : i32 to index
      %swap3A_371 = arith.constant 0 : index
      %swap3A_372 = tpu.vector_load %arg12[%swap3A_370, %swap3A_371] {strides = array<i32>} : memref<8x128xf32, #tpu.memory_space<vmem>>, vector<1x16xf32>,
      %swap3A_373 = vector.shape_cast %swap3A_372 : vector<1x16xf32> to vector<16xf32>
      %swap3A_374 = vector.shape_cast %get3A_368 : vector<16xf32> to vector<1x16xf32>
      tpu.vector_store %arg12[%swap3A_370, %swap3A_371], %swap3A_374 {strides = array<i32>} : memref<8x128xf32, #tpu.memory_space<vmem>>, vector<1x16xf32>,
      %get3A_375 = arith.constant 16 : i32
      %get3A_376 = arith.index_cast %get3A_375 : i32 to index
      %get3A_377 = arith.constant 0 : index
      %get3A_378 = tpu.vector_load %arg11[%get3A_376, %get3A_377] {strides = array<i32>} : memref<64x128xf32, #tpu.memory_space<vmem>>, vector<1x16xf32>,
      %get3A_379 = vector.shape_cast %get3A_378 : vector<1x16xf32> to vector<16xf32>
      %swap3A_380 = arith.constant 2 : i32
      %swap3A_381 = arith.index_cast %swap3A_380 : i32 to index
      %swap3A_382 = arith.constant 0 : index
      %swap3A_383 = tpu.vector_load %arg13[%swap3A_381, %swap3A_382] {strides = array<i32>} : memref<8x128xf32, #tpu.memory_space<vmem>>, vector<1x16xf32>,
      %swap3A_384 = vector.shape_cast %swap3A_383 : vector<1x16xf32> to vector<16xf32>
      %swap3A_385 = vector.shape_cast %get3A_379 : vector<16xf32> to vector<1x16xf32>
      tpu.vector_store %arg13[%swap3A_381, %swap3A_382], %swap3A_385 {strides = array<i32>} : memref<8x128xf32, #tpu.memory_space<vmem>>, vector<1x16xf32>,
      %get3A_386 = arith.constant 17 : i32
      %get3A_387 = arith.index_cast %get3A_386 : i32 to index
      %get3A_388 = arith.constant 0 : index
      %get3A_389 = tpu.vector_load %arg10[%get3A_387, %get3A_388] {strides = array<i32>} : memref<64x128xf32, #tpu.memory_space<vmem>>, vector<1x16xf32>,
      %get3A_390 = vector.shape_cast %get3A_389 : vector<1x16xf32> to vector<16xf32>
      %swap3A_391 = arith.constant 2 : i32
      %swap3A_392 = arith.index_cast %swap3A_391 : i32 to index
      %swap3A_393 = arith.constant 16 : index
      %swap3A_394 = tpu.vector_load %arg12[%swap3A_392, %swap3A_393] {strides = array<i32>} : memref<8x128xf32, #tpu.memory_space<vmem>>, vector<1x16xf32>,
      %swap3A_395 = vector.shape_cast %swap3A_394 : vector<1x16xf32> to vector<16xf32>
      %swap3A_396 = vector.shape_cast %get3A_390 : vector<16xf32> to vector<1x16xf32>
      tpu.vector_store %arg12[%swap3A_392, %swap3A_393], %swap3A_396 {strides = array<i32>} : memref<8x128xf32, #tpu.memory_space<vmem>>, vector<1x16xf32>,
      %get3A_397 = arith.constant 17 : i32
      %get3A_398 = arith.index_cast %get3A_397 : i32 to index
      %get3A_399 = arith.constant 0 : index
      %get3A_400 = tpu.vector_load %arg11[%get3A_398, %get3A_399] {strides = array<i32>} : memref<64x128xf32, #tpu.memory_space<vmem>>, vector<1x16xf32>,
      %get3A_401 = vector.shape_cast %get3A_400 : vector<1x16xf32> to vector<16xf32>
      %swap3A_402 = arith.constant 2 : i32
      %swap3A_403 = arith.index_cast %swap3A_402 : i32 to index
      %swap3A_404 = arith.constant 16 : index
      %swap3A_405 = tpu.vector_load %arg13[%swap3A_403, %swap3A_404] {strides = array<i32>} : memref<8x128xf32, #tpu.memory_space<vmem>>, vector<1x16xf32>,
      %swap3A_406 = vector.shape_cast %swap3A_405 : vector<1x16xf32> to vector<16xf32>
      %swap3A_407 = vector.shape_cast %get3A_401 : vector<16xf32> to vector<1x16xf32>
      tpu.vector_store %arg13[%swap3A_403, %swap3A_404], %swap3A_407 {strides = array<i32>} : memref<8x128xf32, #tpu.memory_space<vmem>>, vector<1x16xf32>,
      %get3A_408 = arith.constant 18 : i32
      %get3A_409 = arith.index_cast %get3A_408 : i32 to index
      %get3A_410 = arith.constant 0 : index
      %get3A_411 = tpu.vector_load %arg10[%get3A_409, %get3A_410] {strides = array<i32>} : memref<64x128xf32, #tpu.memory_space<vmem>>, vector<1x16xf32>,
      %get3A_412 = vector.shape_cast %get3A_411 : vector<1x16xf32> to vector<16xf32>
      %swap3A_413 = arith.constant 2 : i32
      %swap3A_414 = arith.index_cast %swap3A_413 : i32 to index
      %swap3A_415 = arith.constant 32 : index
      %swap3A_416 = tpu.vector_load %arg12[%swap3A_414, %swap3A_415] {strides = array<i32>} : memref<8x128xf32, #tpu.memory_space<vmem>>, vector<1x16xf32>,
      %swap3A_417 = vector.shape_cast %swap3A_416 : vector<1x16xf32> to vector<16xf32>
      %swap3A_418 = vector.shape_cast %get3A_412 : vector<16xf32> to vector<1x16xf32>
      tpu.vector_store %arg12[%swap3A_414, %swap3A_415], %swap3A_418 {strides = array<i32>} : memref<8x128xf32, #tpu.memory_space<vmem>>, vector<1x16xf32>,
      %get3A_419 = arith.constant 18 : i32
      %get3A_420 = arith.index_cast %get3A_419 : i32 to index
      %get3A_421 = arith.constant 0 : index
      %get3A_422 = tpu.vector_load %arg11[%get3A_420, %get3A_421] {strides = array<i32>} : memref<64x128xf32, #tpu.memory_space<vmem>>, vector<1x16xf32>,
      %get3A_423 = vector.shape_cast %get3A_422 : vector<1x16xf32> to vector<16xf32>
      %swap3A_424 = arith.constant 2 : i32
      %swap3A_425 = arith.index_cast %swap3A_424 : i32 to index
      %swap3A_426 = arith.constant 32 : index
      %swap3A_427 = tpu.vector_load %arg13[%swap3A_425, %swap3A_426] {strides = array<i32>} : memref<8x128xf32, #tpu.memory_space<vmem>>, vector<1x16xf32>,
      %swap3A_428 = vector.shape_cast %swap3A_427 : vector<1x16xf32> to vector<16xf32>
      %swap3A_429 = vector.shape_cast %get3A_423 : vector<16xf32> to vector<1x16xf32>
      tpu.vector_store %arg13[%swap3A_425, %swap3A_426], %swap3A_429 {strides = array<i32>} : memref<8x128xf32, #tpu.memory_space<vmem>>, vector<1x16xf32>,
      %get3A_430 = arith.constant 19 : i32
      %get3A_431 = arith.index_cast %get3A_430 : i32 to index
      %get3A_432 = arith.constant 0 : index
      %get3A_433 = tpu.vector_load %arg10[%get3A_431, %get3A_432] {strides = array<i32>} : memref<64x128xf32, #tpu.memory_space<vmem>>, vector<1x16xf32>,
      %get3A_434 = vector.shape_cast %get3A_433 : vector<1x16xf32> to vector<16xf32>
      %swap3A_435 = arith.constant 2 : i32
      %swap3A_436 = arith.index_cast %swap3A_435 : i32 to index
      %swap3A_437 = arith.constant 48 : index
      %swap3A_438 = tpu.vector_load %arg12[%swap3A_436, %swap3A_437] {strides = array<i32>} : memref<8x128xf32, #tpu.memory_space<vmem>>, vector<1x16xf32>,
      %swap3A_439 = vector.shape_cast %swap3A_438 : vector<1x16xf32> to vector<16xf32>
      %swap3A_440 = vector.shape_cast %get3A_434 : vector<16xf32> to vector<1x16xf32>
      tpu.vector_store %arg12[%swap3A_436, %swap3A_437], %swap3A_440 {strides = array<i32>} : memref<8x128xf32, #tpu.memory_space<vmem>>, vector<1x16xf32>,
      %get3A_441 = arith.constant 19 : i32
      %get3A_442 = arith.index_cast %get3A_441 : i32 to index
      %get3A_443 = arith.constant 0 : index
      %get3A_444 = tpu.vector_load %arg11[%get3A_442, %get3A_443] {strides = array<i32>} : memref<64x128xf32, #tpu.memory_space<vmem>>, vector<1x16xf32>,
      %get3A_445 = vector.shape_cast %get3A_444 : vector<1x16xf32> to vector<16xf32>
      %swap3A_446 = arith.constant 2 : i32
      %swap3A_447 = arith.index_cast %swap3A_446 : i32 to index
      %swap3A_448 = arith.constant 48 : index
      %swap3A_449 = tpu.vector_load %arg13[%swap3A_447, %swap3A_448] {strides = array<i32>} : memref<8x128xf32, #tpu.memory_space<vmem>>, vector<1x16xf32>,
      %swap3A_450 = vector.shape_cast %swap3A_449 : vector<1x16xf32> to vector<16xf32>
      %swap3A_451 = vector.shape_cast %get3A_445 : vector<16xf32> to vector<1x16xf32>
      tpu.vector_store %arg13[%swap3A_447, %swap3A_448], %swap3A_451 {strides = array<i32>} : memref<8x128xf32, #tpu.memory_space<vmem>>, vector<1x16xf32>,
      %get3A_452 = arith.constant 20 : i32
      %get3A_453 = arith.index_cast %get3A_452 : i32 to index
      %get3A_454 = arith.constant 0 : index
      %get3A_455 = tpu.vector_load %arg10[%get3A_453, %get3A_454] {strides = array<i32>} : memref<64x128xf32, #tpu.memory_space<vmem>>, vector<1x16xf32>,
      %get3A_456 = vector.shape_cast %get3A_455 : vector<1x16xf32> to vector<16xf32>
      %swap3A_457 = arith.constant 2 : i32
      %swap3A_458 = arith.index_cast %swap3A_457 : i32 to index
      %swap3A_459 = arith.constant 64 : index
      %swap3A_460 = tpu.vector_load %arg12[%swap3A_458, %swap3A_459] {strides = array<i32>} : memref<8x128xf32, #tpu.memory_space<vmem>>, vector<1x16xf32>,
      %swap3A_461 = vector.shape_cast %swap3A_460 : vector<1x16xf32> to vector<16xf32>
      %swap3A_462 = vector.shape_cast %get3A_456 : vector<16xf32> to vector<1x16xf32>
      tpu.vector_store %arg12[%swap3A_458, %swap3A_459], %swap3A_462 {strides = array<i32>} : memref<8x128xf32, #tpu.memory_space<vmem>>, vector<1x16xf32>,
      %get3A_463 = arith.constant 20 : i32
      %get3A_464 = arith.index_cast %get3A_463 : i32 to index
      %get3A_465 = arith.constant 0 : index
      %get3A_466 = tpu.vector_load %arg11[%get3A_464, %get3A_465] {strides = array<i32>} : memref<64x128xf32, #tpu.memory_space<vmem>>, vector<1x16xf32>,
      %get3A_467 = vector.shape_cast %get3A_466 : vector<1x16xf32> to vector<16xf32>
      %swap3A_468 = arith.constant 2 : i32
      %swap3A_469 = arith.index_cast %swap3A_468 : i32 to index
      %swap3A_470 = arith.constant 64 : index
      %swap3A_471 = tpu.vector_load %arg13[%swap3A_469, %swap3A_470] {strides = array<i32>} : memref<8x128xf32, #tpu.memory_space<vmem>>, vector<1x16xf32>,
      %swap3A_472 = vector.shape_cast %swap3A_471 : vector<1x16xf32> to vector<16xf32>
      %swap3A_473 = vector.shape_cast %get3A_467 : vector<16xf32> to vector<1x16xf32>
      tpu.vector_store %arg13[%swap3A_469, %swap3A_470], %swap3A_473 {strides = array<i32>} : memref<8x128xf32, #tpu.memory_space<vmem>>, vector<1x16xf32>,
      %get3A_474 = arith.constant 21 : i32
      %get3A_475 = arith.index_cast %get3A_474 : i32 to index
      %get3A_476 = arith.constant 0 : index
      %get3A_477 = tpu.vector_load %arg10[%get3A_475, %get3A_476] {strides = array<i32>} : memref<64x128xf32, #tpu.memory_space<vmem>>, vector<1x16xf32>,
      %get3A_478 = vector.shape_cast %get3A_477 : vector<1x16xf32> to vector<16xf32>
      %swap3A_479 = arith.constant 2 : i32
      %swap3A_480 = arith.index_cast %swap3A_479 : i32 to index
      %swap3A_481 = arith.constant 80 : index
      %swap3A_482 = tpu.vector_load %arg12[%swap3A_480, %swap3A_481] {strides = array<i32>} : memref<8x128xf32, #tpu.memory_space<vmem>>, vector<1x16xf32>,
      %swap3A_483 = vector.shape_cast %swap3A_482 : vector<1x16xf32> to vector<16xf32>
      %swap3A_484 = vector.shape_cast %get3A_478 : vector<16xf32> to vector<1x16xf32>
      tpu.vector_store %arg12[%swap3A_480, %swap3A_481], %swap3A_484 {strides = array<i32>} : memref<8x128xf32, #tpu.memory_space<vmem>>, vector<1x16xf32>,
      %get3A_485 = arith.constant 21 : i32
      %get3A_486 = arith.index_cast %get3A_485 : i32 to index
      %get3A_487 = arith.constant 0 : index
      %get3A_488 = tpu.vector_load %arg11[%get3A_486, %get3A_487] {strides = array<i32>} : memref<64x128xf32, #tpu.memory_space<vmem>>, vector<1x16xf32>,
      %get3A_489 = vector.shape_cast %get3A_488 : vector<1x16xf32> to vector<16xf32>
      %swap3A_490 = arith.constant 2 : i32
      %swap3A_491 = arith.index_cast %swap3A_490 : i32 to index
      %swap3A_492 = arith.constant 80 : index
      %swap3A_493 = tpu.vector_load %arg13[%swap3A_491, %swap3A_492] {strides = array<i32>} : memref<8x128xf32, #tpu.memory_space<vmem>>, vector<1x16xf32>,
      %swap3A_494 = vector.shape_cast %swap3A_493 : vector<1x16xf32> to vector<16xf32>
      %swap3A_495 = vector.shape_cast %get3A_489 : vector<16xf32> to vector<1x16xf32>
      tpu.vector_store %arg13[%swap3A_491, %swap3A_492], %swap3A_495 {strides = array<i32>} : memref<8x128xf32, #tpu.memory_space<vmem>>, vector<1x16xf32>,
      %get3A_496 = arith.constant 22 : i32
      %get3A_497 = arith.index_cast %get3A_496 : i32 to index
      %get3A_498 = arith.constant 0 : index
      %get3A_499 = tpu.vector_load %arg10[%get3A_497, %get3A_498] {strides = array<i32>} : memref<64x128xf32, #tpu.memory_space<vmem>>, vector<1x16xf32>,
      %get3A_500 = vector.shape_cast %get3A_499 : vector<1x16xf32> to vector<16xf32>
      %swap3A_501 = arith.constant 2 : i32
      %swap3A_502 = arith.index_cast %swap3A_501 : i32 to index
      %swap3A_503 = arith.constant 96 : index
      %swap3A_504 = tpu.vector_load %arg12[%swap3A_502, %swap3A_503] {strides = array<i32>} : memref<8x128xf32, #tpu.memory_space<vmem>>, vector<1x16xf32>,
      %swap3A_505 = vector.shape_cast %swap3A_504 : vector<1x16xf32> to vector<16xf32>
      %swap3A_506 = vector.shape_cast %get3A_500 : vector<16xf32> to vector<1x16xf32>
      tpu.vector_store %arg12[%swap3A_502, %swap3A_503], %swap3A_506 {strides = array<i32>} : memref<8x128xf32, #tpu.memory_space<vmem>>, vector<1x16xf32>,
      %get3A_507 = arith.constant 22 : i32
      %get3A_508 = arith.index_cast %get3A_507 : i32 to index
      %get3A_509 = arith.constant 0 : index
      %get3A_510 = tpu.vector_load %arg11[%get3A_508, %get3A_509] {strides = array<i32>} : memref<64x128xf32, #tpu.memory_space<vmem>>, vector<1x16xf32>,
      %get3A_511 = vector.shape_cast %get3A_510 : vector<1x16xf32> to vector<16xf32>
      %swap3A_512 = arith.constant 2 : i32
      %swap3A_513 = arith.index_cast %swap3A_512 : i32 to index
      %swap3A_514 = arith.constant 96 : index
      %swap3A_515 = tpu.vector_load %arg13[%swap3A_513, %swap3A_514] {strides = array<i32>} : memref<8x128xf32, #tpu.memory_space<vmem>>, vector<1x16xf32>,
      %swap3A_516 = vector.shape_cast %swap3A_515 : vector<1x16xf32> to vector<16xf32>
      %swap3A_517 = vector.shape_cast %get3A_511 : vector<16xf32> to vector<1x16xf32>
      tpu.vector_store %arg13[%swap3A_513, %swap3A_514], %swap3A_517 {strides = array<i32>} : memref<8x128xf32, #tpu.memory_space<vmem>>, vector<1x16xf32>,
      %get3A_518 = arith.constant 23 : i32
      %get3A_519 = arith.index_cast %get3A_518 : i32 to index
      %get3A_520 = arith.constant 0 : index
      %get3A_521 = tpu.vector_load %arg10[%get3A_519, %get3A_520] {strides = array<i32>} : memref<64x128xf32, #tpu.memory_space<vmem>>, vector<1x16xf32>,
      %get3A_522 = vector.shape_cast %get3A_521 : vector<1x16xf32> to vector<16xf32>
      %swap3A_523 = arith.constant 2 : i32
      %swap3A_524 = arith.index_cast %swap3A_523 : i32 to index
      %swap3A_525 = arith.constant 112 : index
      %swap3A_526 = tpu.vector_load %arg12[%swap3A_524, %swap3A_525] {strides = array<i32>} : memref<8x128xf32, #tpu.memory_space<vmem>>, vector<1x16xf32>,
      %swap3A_527 = vector.shape_cast %swap3A_526 : vector<1x16xf32> to vector<16xf32>
      %swap3A_528 = vector.shape_cast %get3A_522 : vector<16xf32> to vector<1x16xf32>
      tpu.vector_store %arg12[%swap3A_524, %swap3A_525], %swap3A_528 {strides = array<i32>} : memref<8x128xf32, #tpu.memory_space<vmem>>, vector<1x16xf32>,
      %get3A_529 = arith.constant 23 : i32
      %get3A_530 = arith.index_cast %get3A_529 : i32 to index
      %get3A_531 = arith.constant 0 : index
      %get3A_532 = tpu.vector_load %arg11[%get3A_530, %get3A_531] {strides = array<i32>} : memref<64x128xf32, #tpu.memory_space<vmem>>, vector<1x16xf32>,
      %get3A_533 = vector.shape_cast %get3A_532 : vector<1x16xf32> to vector<16xf32>
      %swap3A_534 = arith.constant 2 : i32
      %swap3A_535 = arith.index_cast %swap3A_534 : i32 to index
      %swap3A_536 = arith.constant 112 : index
      %swap3A_537 = tpu.vector_load %arg13[%swap3A_535, %swap3A_536] {strides = array<i32>} : memref<8x128xf32, #tpu.memory_space<vmem>>, vector<1x16xf32>,
      %swap3A_538 = vector.shape_cast %swap3A_537 : vector<1x16xf32> to vector<16xf32>
      %swap3A_539 = vector.shape_cast %get3A_533 : vector<16xf32> to vector<1x16xf32>
      tpu.vector_store %arg13[%swap3A_535, %swap3A_536], %swap3A_539 {strides = array<i32>} : memref<8x128xf32, #tpu.memory_space<vmem>>, vector<1x16xf32>,
      %get3A_540 = arith.constant 24 : i32
      %get3A_541 = arith.index_cast %get3A_540 : i32 to index
      %get3A_542 = arith.constant 0 : index
      %get3A_543 = tpu.vector_load %arg10[%get3A_541, %get3A_542] {strides = array<i32>} : memref<64x128xf32, #tpu.memory_space<vmem>>, vector<1x16xf32>,
      %get3A_544 = vector.shape_cast %get3A_543 : vector<1x16xf32> to vector<16xf32>
      %swap3A_545 = arith.constant 3 : i32
      %swap3A_546 = arith.index_cast %swap3A_545 : i32 to index
      %swap3A_547 = arith.constant 0 : index
      %swap3A_548 = tpu.vector_load %arg12[%swap3A_546, %swap3A_547] {strides = array<i32>} : memref<8x128xf32, #tpu.memory_space<vmem>>, vector<1x16xf32>,
      %swap3A_549 = vector.shape_cast %swap3A_548 : vector<1x16xf32> to vector<16xf32>
      %swap3A_550 = vector.shape_cast %get3A_544 : vector<16xf32> to vector<1x16xf32>
      tpu.vector_store %arg12[%swap3A_546, %swap3A_547], %swap3A_550 {strides = array<i32>} : memref<8x128xf32, #tpu.memory_space<vmem>>, vector<1x16xf32>,
      %get3A_551 = arith.constant 24 : i32
      %get3A_552 = arith.index_cast %get3A_551 : i32 to index
      %get3A_553 = arith.constant 0 : index
      %get3A_554 = tpu.vector_load %arg11[%get3A_552, %get3A_553] {strides = array<i32>} : memref<64x128xf32, #tpu.memory_space<vmem>>, vector<1x16xf32>,
      %get3A_555 = vector.shape_cast %get3A_554 : vector<1x16xf32> to vector<16xf32>
      %swap3A_556 = arith.constant 3 : i32
      %swap3A_557 = arith.index_cast %swap3A_556 : i32 to index
      %swap3A_558 = arith.constant 0 : index
      %swap3A_559 = tpu.vector_load %arg13[%swap3A_557, %swap3A_558] {strides = array<i32>} : memref<8x128xf32, #tpu.memory_space<vmem>>, vector<1x16xf32>,
      %swap3A_560 = vector.shape_cast %swap3A_559 : vector<1x16xf32> to vector<16xf32>
      %swap3A_561 = vector.shape_cast %get3A_555 : vector<16xf32> to vector<1x16xf32>
      tpu.vector_store %arg13[%swap3A_557, %swap3A_558], %swap3A_561 {strides = array<i32>} : memref<8x128xf32, #tpu.memory_space<vmem>>, vector<1x16xf32>,
      %get3A_562 = arith.constant 25 : i32
      %get3A_563 = arith.index_cast %get3A_562 : i32 to index
      %get3A_564 = arith.constant 0 : index
      %get3A_565 = tpu.vector_load %arg10[%get3A_563, %get3A_564] {strides = array<i32>} : memref<64x128xf32, #tpu.memory_space<vmem>>, vector<1x16xf32>,
      %get3A_566 = vector.shape_cast %get3A_565 : vector<1x16xf32> to vector<16xf32>
      %swap3A_567 = arith.constant 3 : i32
      %swap3A_568 = arith.index_cast %swap3A_567 : i32 to index
      %swap3A_569 = arith.constant 16 : index
      %swap3A_570 = tpu.vector_load %arg12[%swap3A_568, %swap3A_569] {strides = array<i32>} : memref<8x128xf32, #tpu.memory_space<vmem>>, vector<1x16xf32>,
      %swap3A_571 = vector.shape_cast %swap3A_570 : vector<1x16xf32> to vector<16xf32>
      %swap3A_572 = vector.shape_cast %get3A_566 : vector<16xf32> to vector<1x16xf32>
      tpu.vector_store %arg12[%swap3A_568, %swap3A_569], %swap3A_572 {strides = array<i32>} : memref<8x128xf32, #tpu.memory_space<vmem>>, vector<1x16xf32>,
      %get3A_573 = arith.constant 25 : i32
      %get3A_574 = arith.index_cast %get3A_573 : i32 to index
      %get3A_575 = arith.constant 0 : index
      %get3A_576 = tpu.vector_load %arg11[%get3A_574, %get3A_575] {strides = array<i32>} : memref<64x128xf32, #tpu.memory_space<vmem>>, vector<1x16xf32>,
      %get3A_577 = vector.shape_cast %get3A_576 : vector<1x16xf32> to vector<16xf32>
      %swap3A_578 = arith.constant 3 : i32
      %swap3A_579 = arith.index_cast %swap3A_578 : i32 to index
      %swap3A_580 = arith.constant 16 : index
      %swap3A_581 = tpu.vector_load %arg13[%swap3A_579, %swap3A_580] {strides = array<i32>} : memref<8x128xf32, #tpu.memory_space<vmem>>, vector<1x16xf32>,
      %swap3A_582 = vector.shape_cast %swap3A_581 : vector<1x16xf32> to vector<16xf32>
      %swap3A_583 = vector.shape_cast %get3A_577 : vector<16xf32> to vector<1x16xf32>
      tpu.vector_store %arg13[%swap3A_579, %swap3A_580], %swap3A_583 {strides = array<i32>} : memref<8x128xf32, #tpu.memory_space<vmem>>, vector<1x16xf32>,
      %get3A_584 = arith.constant 26 : i32
      %get3A_585 = arith.index_cast %get3A_584 : i32 to index
      %get3A_586 = arith.constant 0 : index
      %get3A_587 = tpu.vector_load %arg10[%get3A_585, %get3A_586] {strides = array<i32>} : memref<64x128xf32, #tpu.memory_space<vmem>>, vector<1x16xf32>,
      %get3A_588 = vector.shape_cast %get3A_587 : vector<1x16xf32> to vector<16xf32>
      %swap3A_589 = arith.constant 3 : i32
      %swap3A_590 = arith.index_cast %swap3A_589 : i32 to index
      %swap3A_591 = arith.constant 32 : index
      %swap3A_592 = tpu.vector_load %arg12[%swap3A_590, %swap3A_591] {strides = array<i32>} : memref<8x128xf32, #tpu.memory_space<vmem>>, vector<1x16xf32>,
      %swap3A_593 = vector.shape_cast %swap3A_592 : vector<1x16xf32> to vector<16xf32>
      %swap3A_594 = vector.shape_cast %get3A_588 : vector<16xf32> to vector<1x16xf32>
      tpu.vector_store %arg12[%swap3A_590, %swap3A_591], %swap3A_594 {strides = array<i32>} : memref<8x128xf32, #tpu.memory_space<vmem>>, vector<1x16xf32>,
      %get3A_595 = arith.constant 26 : i32
      %get3A_596 = arith.index_cast %get3A_595 : i32 to index
      %get3A_597 = arith.constant 0 : index
      %get3A_598 = tpu.vector_load %arg11[%get3A_596, %get3A_597] {strides = array<i32>} : memref<64x128xf32, #tpu.memory_space<vmem>>, vector<1x16xf32>,
      %get3A_599 = vector.shape_cast %get3A_598 : vector<1x16xf32> to vector<16xf32>
      %swap3A_600 = arith.constant 3 : i32
      %swap3A_601 = arith.index_cast %swap3A_600 : i32 to index
      %swap3A_602 = arith.constant 32 : index
      %swap3A_603 = tpu.vector_load %arg13[%swap3A_601, %swap3A_602] {strides = array<i32>} : memref<8x128xf32, #tpu.memory_space<vmem>>, vector<1x16xf32>,
      %swap3A_604 = vector.shape_cast %swap3A_603 : vector<1x16xf32> to vector<16xf32>
      %swap3A_605 = vector.shape_cast %get3A_599 : vector<16xf32> to vector<1x16xf32>
      tpu.vector_store %arg13[%swap3A_601, %swap3A_602], %swap3A_605 {strides = array<i32>} : memref<8x128xf32, #tpu.memory_space<vmem>>, vector<1x16xf32>,
      %get3A_606 = arith.constant 27 : i32
      %get3A_607 = arith.index_cast %get3A_606 : i32 to index
      %get3A_608 = arith.constant 0 : index
      %get3A_609 = tpu.vector_load %arg10[%get3A_607, %get3A_608] {strides = array<i32>} : memref<64x128xf32, #tpu.memory_space<vmem>>, vector<1x16xf32>,
      %get3A_610 = vector.shape_cast %get3A_609 : vector<1x16xf32> to vector<16xf32>
      %swap3A_611 = arith.constant 3 : i32
      %swap3A_612 = arith.index_cast %swap3A_611 : i32 to index
      %swap3A_613 = arith.constant 48 : index
      %swap3A_614 = tpu.vector_load %arg12[%swap3A_612, %swap3A_613] {strides = array<i32>} : memref<8x128xf32, #tpu.memory_space<vmem>>, vector<1x16xf32>,
      %swap3A_615 = vector.shape_cast %swap3A_614 : vector<1x16xf32> to vector<16xf32>
      %swap3A_616 = vector.shape_cast %get3A_610 : vector<16xf32> to vector<1x16xf32>
      tpu.vector_store %arg12[%swap3A_612, %swap3A_613], %swap3A_616 {strides = array<i32>} : memref<8x128xf32, #tpu.memory_space<vmem>>, vector<1x16xf32>,
      %get3A_617 = arith.constant 27 : i32
      %get3A_618 = arith.index_cast %get3A_617 : i32 to index
      %get3A_619 = arith.constant 0 : index
      %get3A_620 = tpu.vector_load %arg11[%get3A_618, %get3A_619] {strides = array<i32>} : memref<64x128xf32, #tpu.memory_space<vmem>>, vector<1x16xf32>,
      %get3A_621 = vector.shape_cast %get3A_620 : vector<1x16xf32> to vector<16xf32>
      %swap3A_622 = arith.constant 3 : i32
      %swap3A_623 = arith.index_cast %swap3A_622 : i32 to index
      %swap3A_624 = arith.constant 48 : index
      %swap3A_625 = tpu.vector_load %arg13[%swap3A_623, %swap3A_624] {strides = array<i32>} : memref<8x128xf32, #tpu.memory_space<vmem>>, vector<1x16xf32>,
      %swap3A_626 = vector.shape_cast %swap3A_625 : vector<1x16xf32> to vector<16xf32>
      %swap3A_627 = vector.shape_cast %get3A_621 : vector<16xf32> to vector<1x16xf32>
      tpu.vector_store %arg13[%swap3A_623, %swap3A_624], %swap3A_627 {strides = array<i32>} : memref<8x128xf32, #tpu.memory_space<vmem>>, vector<1x16xf32>,
      %get3A_628 = arith.constant 28 : i32
      %get3A_629 = arith.index_cast %get3A_628 : i32 to index
      %get3A_630 = arith.constant 0 : index
      %get3A_631 = tpu.vector_load %arg10[%get3A_629, %get3A_630] {strides = array<i32>} : memref<64x128xf32, #tpu.memory_space<vmem>>, vector<1x16xf32>,
      %get3A_632 = vector.shape_cast %get3A_631 : vector<1x16xf32> to vector<16xf32>
      %swap3A_633 = arith.constant 3 : i32
      %swap3A_634 = arith.index_cast %swap3A_633 : i32 to index
      %swap3A_635 = arith.constant 64 : index
      %swap3A_636 = tpu.vector_load %arg12[%swap3A_634, %swap3A_635] {strides = array<i32>} : memref<8x128xf32, #tpu.memory_space<vmem>>, vector<1x16xf32>,
      %swap3A_637 = vector.shape_cast %swap3A_636 : vector<1x16xf32> to vector<16xf32>
      %swap3A_638 = vector.shape_cast %get3A_632 : vector<16xf32> to vector<1x16xf32>
      tpu.vector_store %arg12[%swap3A_634, %swap3A_635], %swap3A_638 {strides = array<i32>} : memref<8x128xf32, #tpu.memory_space<vmem>>, vector<1x16xf32>,
      %get3A_639 = arith.constant 28 : i32
      %get3A_640 = arith.index_cast %get3A_639 : i32 to index
      %get3A_641 = arith.constant 0 : index
      %get3A_642 = tpu.vector_load %arg11[%get3A_640, %get3A_641] {strides = array<i32>} : memref<64x128xf32, #tpu.memory_space<vmem>>, vector<1x16xf32>,
      %get3A_643 = vector.shape_cast %get3A_642 : vector<1x16xf32> to vector<16xf32>
      %swap3A_644 = arith.constant 3 : i32
      %swap3A_645 = arith.index_cast %swap3A_644 : i32 to index
      %swap3A_646 = arith.constant 64 : index
      %swap3A_647 = tpu.vector_load %arg13[%swap3A_645, %swap3A_646] {strides = array<i32>} : memref<8x128xf32, #tpu.memory_space<vmem>>, vector<1x16xf32>,
      %swap3A_648 = vector.shape_cast %swap3A_647 : vector<1x16xf32> to vector<16xf32>
      %swap3A_649 = vector.shape_cast %get3A_643 : vector<16xf32> to vector<1x16xf32>
      tpu.vector_store %arg13[%swap3A_645, %swap3A_646], %swap3A_649 {strides = array<i32>} : memref<8x128xf32, #tpu.memory_space<vmem>>, vector<1x16xf32>,
      %get3A_650 = arith.constant 29 : i32
      %get3A_651 = arith.index_cast %get3A_650 : i32 to index
      %get3A_652 = arith.constant 0 : index
      %get3A_653 = tpu.vector_load %arg10[%get3A_651, %get3A_652] {strides = array<i32>} : memref<64x128xf32, #tpu.memory_space<vmem>>, vector<1x16xf32>,
      %get3A_654 = vector.shape_cast %get3A_653 : vector<1x16xf32> to vector<16xf32>
      %swap3A_655 = arith.constant 3 : i32
      %swap3A_656 = arith.index_cast %swap3A_655 : i32 to index
      %swap3A_657 = arith.constant 80 : index
      %swap3A_658 = tpu.vector_load %arg12[%swap3A_656, %swap3A_657] {strides = array<i32>} : memref<8x128xf32, #tpu.memory_space<vmem>>, vector<1x16xf32>,
      %swap3A_659 = vector.shape_cast %swap3A_658 : vector<1x16xf32> to vector<16xf32>
      %swap3A_660 = vector.shape_cast %get3A_654 : vector<16xf32> to vector<1x16xf32>
      tpu.vector_store %arg12[%swap3A_656, %swap3A_657], %swap3A_660 {strides = array<i32>} : memref<8x128xf32, #tpu.memory_space<vmem>>, vector<1x16xf32>,
      %get3A_661 = arith.constant 29 : i32
      %get3A_662 = arith.index_cast %get3A_661 : i32 to index
      %get3A_663 = arith.constant 0 : index
      %get3A_664 = tpu.vector_load %arg11[%get3A_662, %get3A_663] {strides = array<i32>} : memref<64x128xf32, #tpu.memory_space<vmem>>, vector<1x16xf32>,
      %get3A_665 = vector.shape_cast %get3A_664 : vector<1x16xf32> to vector<16xf32>
      %swap3A_666 = arith.constant 3 : i32
      %swap3A_667 = arith.index_cast %swap3A_666 : i32 to index
      %swap3A_668 = arith.constant 80 : index
      %swap3A_669 = tpu.vector_load %arg13[%swap3A_667, %swap3A_668] {strides = array<i32>} : memref<8x128xf32, #tpu.memory_space<vmem>>, vector<1x16xf32>,
      %swap3A_670 = vector.shape_cast %swap3A_669 : vector<1x16xf32> to vector<16xf32>
      %swap3A_671 = vector.shape_cast %get3A_665 : vector<16xf32> to vector<1x16xf32>
      tpu.vector_store %arg13[%swap3A_667, %swap3A_668], %swap3A_671 {strides = array<i32>} : memref<8x128xf32, #tpu.memory_space<vmem>>, vector<1x16xf32>,
      %get3A_672 = arith.constant 30 : i32
      %get3A_673 = arith.index_cast %get3A_672 : i32 to index
      %get3A_674 = arith.constant 0 : index
      %get3A_675 = tpu.vector_load %arg10[%get3A_673, %get3A_674] {strides = array<i32>} : memref<64x128xf32, #tpu.memory_space<vmem>>, vector<1x16xf32>,
      %get3A_676 = vector.shape_cast %get3A_675 : vector<1x16xf32> to vector<16xf32>
      %swap3A_677 = arith.constant 3 : i32
      %swap3A_678 = arith.index_cast %swap3A_677 : i32 to index
      %swap3A_679 = arith.constant 96 : index
      %swap3A_680 = tpu.vector_load %arg12[%swap3A_678, %swap3A_679] {strides = array<i32>} : memref<8x128xf32, #tpu.memory_space<vmem>>, vector<1x16xf32>,
      %swap3A_681 = vector.shape_cast %swap3A_680 : vector<1x16xf32> to vector<16xf32>
      %swap3A_682 = vector.shape_cast %get3A_676 : vector<16xf32> to vector<1x16xf32>
      tpu.vector_store %arg12[%swap3A_678, %swap3A_679], %swap3A_682 {strides = array<i32>} : memref<8x128xf32, #tpu.memory_space<vmem>>, vector<1x16xf32>,
      %get3A_683 = arith.constant 30 : i32
      %get3A_684 = arith.index_cast %get3A_683 : i32 to index
      %get3A_685 = arith.constant 0 : index
      %get3A_686 = tpu.vector_load %arg11[%get3A_684, %get3A_685] {strides = array<i32>} : memref<64x128xf32, #tpu.memory_space<vmem>>, vector<1x16xf32>,
      %get3A_687 = vector.shape_cast %get3A_686 : vector<1x16xf32> to vector<16xf32>
      %swap3A_688 = arith.constant 3 : i32
      %swap3A_689 = arith.index_cast %swap3A_688 : i32 to index
      %swap3A_690 = arith.constant 96 : index
      %swap3A_691 = tpu.vector_load %arg13[%swap3A_689, %swap3A_690] {strides = array<i32>} : memref<8x128xf32, #tpu.memory_space<vmem>>, vector<1x16xf32>,
      %swap3A_692 = vector.shape_cast %swap3A_691 : vector<1x16xf32> to vector<16xf32>
      %swap3A_693 = vector.shape_cast %get3A_687 : vector<16xf32> to vector<1x16xf32>
      tpu.vector_store %arg13[%swap3A_689, %swap3A_690], %swap3A_693 {strides = array<i32>} : memref<8x128xf32, #tpu.memory_space<vmem>>, vector<1x16xf32>,
      %get3A_694 = arith.constant 31 : i32
      %get3A_695 = arith.index_cast %get3A_694 : i32 to index
      %get3A_696 = arith.constant 0 : index
      %get3A_697 = tpu.vector_load %arg10[%get3A_695, %get3A_696] {strides = array<i32>} : memref<64x128xf32, #tpu.memory_space<vmem>>, vector<1x16xf32>,
      %get3A_698 = vector.shape_cast %get3A_697 : vector<1x16xf32> to vector<16xf32>
      %swap3A_699 = arith.constant 3 : i32
      %swap3A_700 = arith.index_cast %swap3A_699 : i32 to index
      %swap3A_701 = arith.constant 112 : index
      %swap3A_702 = tpu.vector_load %arg12[%swap3A_700, %swap3A_701] {strides = array<i32>} : memref<8x128xf32, #tpu.memory_space<vmem>>, vector<1x16xf32>,
      %swap3A_703 = vector.shape_cast %swap3A_702 : vector<1x16xf32> to vector<16xf32>
      %swap3A_704 = vector.shape_cast %get3A_698 : vector<16xf32> to vector<1x16xf32>
      tpu.vector_store %arg12[%swap3A_700, %swap3A_701], %swap3A_704 {strides = array<i32>} : memref<8x128xf32, #tpu.memory_space<vmem>>, vector<1x16xf32>,
      %get3A_705 = arith.constant 31 : i32
      %get3A_706 = arith.index_cast %get3A_705 : i32 to index
      %get3A_707 = arith.constant 0 : index
      %get3A_708 = tpu.vector_load %arg11[%get3A_706, %get3A_707] {strides = array<i32>} : memref<64x128xf32, #tpu.memory_space<vmem>>, vector<1x16xf32>,
      %get3A_709 = vector.shape_cast %get3A_708 : vector<1x16xf32> to vector<16xf32>
      %swap3A_710 = arith.constant 3 : i32
      %swap3A_711 = arith.index_cast %swap3A_710 : i32 to index
      %swap3A_712 = arith.constant 112 : index
      %swap3A_713 = tpu.vector_load %arg13[%swap3A_711, %swap3A_712] {strides = array<i32>} : memref<8x128xf32, #tpu.memory_space<vmem>>, vector<1x16xf32>,
      %swap3A_714 = vector.shape_cast %swap3A_713 : vector<1x16xf32> to vector<16xf32>
      %swap3A_715 = vector.shape_cast %get3A_709 : vector<16xf32> to vector<1x16xf32>
      tpu.vector_store %arg13[%swap3A_711, %swap3A_712], %swap3A_715 {strides = array<i32>} : memref<8x128xf32, #tpu.memory_space<vmem>>, vector<1x16xf32>,
      %get3A_716 = arith.constant 32 : i32
      %get3A_717 = arith.index_cast %get3A_716 : i32 to index
      %get3A_718 = arith.constant 0 : index
      %get3A_719 = tpu.vector_load %arg10[%get3A_717, %get3A_718] {strides = array<i32>} : memref<64x128xf32, #tpu.memory_space<vmem>>, vector<1x16xf32>,
      %get3A_720 = vector.shape_cast %get3A_719 : vector<1x16xf32> to vector<16xf32>
      %swap3A_721 = arith.constant 4 : i32
      %swap3A_722 = arith.index_cast %swap3A_721 : i32 to index
      %swap3A_723 = arith.constant 0 : index
      %swap3A_724 = tpu.vector_load %arg12[%swap3A_722, %swap3A_723] {strides = array<i32>} : memref<8x128xf32, #tpu.memory_space<vmem>>, vector<1x16xf32>,
      %swap3A_725 = vector.shape_cast %swap3A_724 : vector<1x16xf32> to vector<16xf32>
      %swap3A_726 = vector.shape_cast %get3A_720 : vector<16xf32> to vector<1x16xf32>
      tpu.vector_store %arg12[%swap3A_722, %swap3A_723], %swap3A_726 {strides = array<i32>} : memref<8x128xf32, #tpu.memory_space<vmem>>, vector<1x16xf32>,
      %get3A_727 = arith.constant 32 : i32
      %get3A_728 = arith.index_cast %get3A_727 : i32 to index
      %get3A_729 = arith.constant 0 : index
      %get3A_730 = tpu.vector_load %arg11[%get3A_728, %get3A_729] {strides = array<i32>} : memref<64x128xf32, #tpu.memory_space<vmem>>, vector<1x16xf32>,
      %get3A_731 = vector.shape_cast %get3A_730 : vector<1x16xf32> to vector<16xf32>
      %swap3A_732 = arith.constant 4 : i32
      %swap3A_733 = arith.index_cast %swap3A_732 : i32 to index
      %swap3A_734 = arith.constant 0 : index
      %swap3A_735 = tpu.vector_load %arg13[%swap3A_733, %swap3A_734] {strides = array<i32>} : memref<8x128xf32, #tpu.memory_space<vmem>>, vector<1x16xf32>,
      %swap3A_736 = vector.shape_cast %swap3A_735 : vector<1x16xf32> to vector<16xf32>
      %swap3A_737 = vector.shape_cast %get3A_731 : vector<16xf32> to vector<1x16xf32>
      tpu.vector_store %arg13[%swap3A_733, %swap3A_734], %swap3A_737 {strides = array<i32>} : memref<8x128xf32, #tpu.memory_space<vmem>>, vector<1x16xf32>,
      %get3A_738 = arith.constant 33 : i32
      %get3A_739 = arith.index_cast %get3A_738 : i32 to index
      %get3A_740 = arith.constant 0 : index
      %get3A_741 = tpu.vector_load %arg10[%get3A_739, %get3A_740] {strides = array<i32>} : memref<64x128xf32, #tpu.memory_space<vmem>>, vector<1x16xf32>,
      %get3A_742 = vector.shape_cast %get3A_741 : vector<1x16xf32> to vector<16xf32>
      %swap3A_743 = arith.constant 4 : i32
      %swap3A_744 = arith.index_cast %swap3A_743 : i32 to index
      %swap3A_745 = arith.constant 16 : index
      %swap3A_746 = tpu.vector_load %arg12[%swap3A_744, %swap3A_745] {strides = array<i32>} : memref<8x128xf32, #tpu.memory_space<vmem>>, vector<1x16xf32>,
      %swap3A_747 = vector.shape_cast %swap3A_746 : vector<1x16xf32> to vector<16xf32>
      %swap3A_748 = vector.shape_cast %get3A_742 : vector<16xf32> to vector<1x16xf32>
      tpu.vector_store %arg12[%swap3A_744, %swap3A_745], %swap3A_748 {strides = array<i32>} : memref<8x128xf32, #tpu.memory_space<vmem>>, vector<1x16xf32>,
      %get3A_749 = arith.constant 33 : i32
      %get3A_750 = arith.index_cast %get3A_749 : i32 to index
      %get3A_751 = arith.constant 0 : index
      %get3A_752 = tpu.vector_load %arg11[%get3A_750, %get3A_751] {strides = array<i32>} : memref<64x128xf32, #tpu.memory_space<vmem>>, vector<1x16xf32>,
      %get3A_753 = vector.shape_cast %get3A_752 : vector<1x16xf32> to vector<16xf32>
      %swap3A_754 = arith.constant 4 : i32
      %swap3A_755 = arith.index_cast %swap3A_754 : i32 to index
      %swap3A_756 = arith.constant 16 : index
      %swap3A_757 = tpu.vector_load %arg13[%swap3A_755, %swap3A_756] {strides = array<i32>} : memref<8x128xf32, #tpu.memory_space<vmem>>, vector<1x16xf32>,
      %swap3A_758 = vector.shape_cast %swap3A_757 : vector<1x16xf32> to vector<16xf32>
      %swap3A_759 = vector.shape_cast %get3A_753 : vector<16xf32> to vector<1x16xf32>
      tpu.vector_store %arg13[%swap3A_755, %swap3A_756], %swap3A_759 {strides = array<i32>} : memref<8x128xf32, #tpu.memory_space<vmem>>, vector<1x16xf32>,
      %get3A_760 = arith.constant 34 : i32
      %get3A_761 = arith.index_cast %get3A_760 : i32 to index
      %get3A_762 = arith.constant 0 : index
      %get3A_763 = tpu.vector_load %arg10[%get3A_761, %get3A_762] {strides = array<i32>} : memref<64x128xf32, #tpu.memory_space<vmem>>, vector<1x16xf32>,
      %get3A_764 = vector.shape_cast %get3A_763 : vector<1x16xf32> to vector<16xf32>
      %swap3A_765 = arith.constant 4 : i32
      %swap3A_766 = arith.index_cast %swap3A_765 : i32 to index
      %swap3A_767 = arith.constant 32 : index
      %swap3A_768 = tpu.vector_load %arg12[%swap3A_766, %swap3A_767] {strides = array<i32>} : memref<8x128xf32, #tpu.memory_space<vmem>>, vector<1x16xf32>,
      %swap3A_769 = vector.shape_cast %swap3A_768 : vector<1x16xf32> to vector<16xf32>
      %swap3A_770 = vector.shape_cast %get3A_764 : vector<16xf32> to vector<1x16xf32>
      tpu.vector_store %arg12[%swap3A_766, %swap3A_767], %swap3A_770 {strides = array<i32>} : memref<8x128xf32, #tpu.memory_space<vmem>>, vector<1x16xf32>,
      %get3A_771 = arith.constant 34 : i32
      %get3A_772 = arith.index_cast %get3A_771 : i32 to index
      %get3A_773 = arith.constant 0 : index
      %get3A_774 = tpu.vector_load %arg11[%get3A_772, %get3A_773] {strides = array<i32>} : memref<64x128xf32, #tpu.memory_space<vmem>>, vector<1x16xf32>,
      %get3A_775 = vector.shape_cast %get3A_774 : vector<1x16xf32> to vector<16xf32>
      %swap3A_776 = arith.constant 4 : i32
      %swap3A_777 = arith.index_cast %swap3A_776 : i32 to index
      %swap3A_778 = arith.constant 32 : index
      %swap3A_779 = tpu.vector_load %arg13[%swap3A_777, %swap3A_778] {strides = array<i32>} : memref<8x128xf32, #tpu.memory_space<vmem>>, vector<1x16xf32>,
      %swap3A_780 = vector.shape_cast %swap3A_779 : vector<1x16xf32> to vector<16xf32>
      %swap3A_781 = vector.shape_cast %get3A_775 : vector<16xf32> to vector<1x16xf32>
      tpu.vector_store %arg13[%swap3A_777, %swap3A_778], %swap3A_781 {strides = array<i32>} : memref<8x128xf32, #tpu.memory_space<vmem>>, vector<1x16xf32>,
      %get3A_782 = arith.constant 35 : i32
      %get3A_783 = arith.index_cast %get3A_782 : i32 to index
      %get3A_784 = arith.constant 0 : index
      %get3A_785 = tpu.vector_load %arg10[%get3A_783, %get3A_784] {strides = array<i32>} : memref<64x128xf32, #tpu.memory_space<vmem>>, vector<1x16xf32>,
      %get3A_786 = vector.shape_cast %get3A_785 : vector<1x16xf32> to vector<16xf32>
      %swap3A_787 = arith.constant 4 : i32
      %swap3A_788 = arith.index_cast %swap3A_787 : i32 to index
      %swap3A_789 = arith.constant 48 : index
      %swap3A_790 = tpu.vector_load %arg12[%swap3A_788, %swap3A_789] {strides = array<i32>} : memref<8x128xf32, #tpu.memory_space<vmem>>, vector<1x16xf32>,
      %swap3A_791 = vector.shape_cast %swap3A_790 : vector<1x16xf32> to vector<16xf32>
      %swap3A_792 = vector.shape_cast %get3A_786 : vector<16xf32> to vector<1x16xf32>
      tpu.vector_store %arg12[%swap3A_788, %swap3A_789], %swap3A_792 {strides = array<i32>} : memref<8x128xf32, #tpu.memory_space<vmem>>, vector<1x16xf32>,
      %get3A_793 = arith.constant 35 : i32
      %get3A_794 = arith.index_cast %get3A_793 : i32 to index
      %get3A_795 = arith.constant 0 : index
      %get3A_796 = tpu.vector_load %arg11[%get3A_794, %get3A_795] {strides = array<i32>} : memref<64x128xf32, #tpu.memory_space<vmem>>, vector<1x16xf32>,
      %get3A_797 = vector.shape_cast %get3A_796 : vector<1x16xf32> to vector<16xf32>
      %swap3A_798 = arith.constant 4 : i32
      %swap3A_799 = arith.index_cast %swap3A_798 : i32 to index
      %swap3A_800 = arith.constant 48 : index
      %swap3A_801 = tpu.vector_load %arg13[%swap3A_799, %swap3A_800] {strides = array<i32>} : memref<8x128xf32, #tpu.memory_space<vmem>>, vector<1x16xf32>,
      %swap3A_802 = vector.shape_cast %swap3A_801 : vector<1x16xf32> to vector<16xf32>
      %swap3A_803 = vector.shape_cast %get3A_797 : vector<16xf32> to vector<1x16xf32>
      tpu.vector_store %arg13[%swap3A_799, %swap3A_800], %swap3A_803 {strides = array<i32>} : memref<8x128xf32, #tpu.memory_space<vmem>>, vector<1x16xf32>,
      %get3A_804 = arith.constant 36 : i32
      %get3A_805 = arith.index_cast %get3A_804 : i32 to index
      %get3A_806 = arith.constant 0 : index
      %get3A_807 = tpu.vector_load %arg10[%get3A_805, %get3A_806] {strides = array<i32>} : memref<64x128xf32, #tpu.memory_space<vmem>>, vector<1x16xf32>,
      %get3A_808 = vector.shape_cast %get3A_807 : vector<1x16xf32> to vector<16xf32>
      %swap3A_809 = arith.constant 4 : i32
      %swap3A_810 = arith.index_cast %swap3A_809 : i32 to index
      %swap3A_811 = arith.constant 64 : index
      %swap3A_812 = tpu.vector_load %arg12[%swap3A_810, %swap3A_811] {strides = array<i32>} : memref<8x128xf32, #tpu.memory_space<vmem>>, vector<1x16xf32>,
      %swap3A_813 = vector.shape_cast %swap3A_812 : vector<1x16xf32> to vector<16xf32>
      %swap3A_814 = vector.shape_cast %get3A_808 : vector<16xf32> to vector<1x16xf32>
      tpu.vector_store %arg12[%swap3A_810, %swap3A_811], %swap3A_814 {strides = array<i32>} : memref<8x128xf32, #tpu.memory_space<vmem>>, vector<1x16xf32>,
      %get3A_815 = arith.constant 36 : i32
      %get3A_816 = arith.index_cast %get3A_815 : i32 to index
      %get3A_817 = arith.constant 0 : index
      %get3A_818 = tpu.vector_load %arg11[%get3A_816, %get3A_817] {strides = array<i32>} : memref<64x128xf32, #tpu.memory_space<vmem>>, vector<1x16xf32>,
      %get3A_819 = vector.shape_cast %get3A_818 : vector<1x16xf32> to vector<16xf32>
      %swap3A_820 = arith.constant 4 : i32
      %swap3A_821 = arith.index_cast %swap3A_820 : i32 to index
      %swap3A_822 = arith.constant 64 : index
      %swap3A_823 = tpu.vector_load %arg13[%swap3A_821, %swap3A_822] {strides = array<i32>} : memref<8x128xf32, #tpu.memory_space<vmem>>, vector<1x16xf32>,
      %swap3A_824 = vector.shape_cast %swap3A_823 : vector<1x16xf32> to vector<16xf32>
      %swap3A_825 = vector.shape_cast %get3A_819 : vector<16xf32> to vector<1x16xf32>
      tpu.vector_store %arg13[%swap3A_821, %swap3A_822], %swap3A_825 {strides = array<i32>} : memref<8x128xf32, #tpu.memory_space<vmem>>, vector<1x16xf32>,
      %get3A_826 = arith.constant 37 : i32
      %get3A_827 = arith.index_cast %get3A_826 : i32 to index
      %get3A_828 = arith.constant 0 : index
      %get3A_829 = tpu.vector_load %arg10[%get3A_827, %get3A_828] {strides = array<i32>} : memref<64x128xf32, #tpu.memory_space<vmem>>, vector<1x16xf32>,
      %get3A_830 = vector.shape_cast %get3A_829 : vector<1x16xf32> to vector<16xf32>
      %swap3A_831 = arith.constant 4 : i32
      %swap3A_832 = arith.index_cast %swap3A_831 : i32 to index
      %swap3A_833 = arith.constant 80 : index
      %swap3A_834 = tpu.vector_load %arg12[%swap3A_832, %swap3A_833] {strides = array<i32>} : memref<8x128xf32, #tpu.memory_space<vmem>>, vector<1x16xf32>,
      %swap3A_835 = vector.shape_cast %swap3A_834 : vector<1x16xf32> to vector<16xf32>
      %swap3A_836 = vector.shape_cast %get3A_830 : vector<16xf32> to vector<1x16xf32>
      tpu.vector_store %arg12[%swap3A_832, %swap3A_833], %swap3A_836 {strides = array<i32>} : memref<8x128xf32, #tpu.memory_space<vmem>>, vector<1x16xf32>,
      %get3A_837 = arith.constant 37 : i32
      %get3A_838 = arith.index_cast %get3A_837 : i32 to index
      %get3A_839 = arith.constant 0 : index
      %get3A_840 = tpu.vector_load %arg11[%get3A_838, %get3A_839] {strides = array<i32>} : memref<64x128xf32, #tpu.memory_space<vmem>>, vector<1x16xf32>,
      %get3A_841 = vector.shape_cast %get3A_840 : vector<1x16xf32> to vector<16xf32>
      %swap3A_842 = arith.constant 4 : i32
      %swap3A_843 = arith.index_cast %swap3A_842 : i32 to index
      %swap3A_844 = arith.constant 80 : index
      %swap3A_845 = tpu.vector_load %arg13[%swap3A_843, %swap3A_844] {strides = array<i32>} : memref<8x128xf32, #tpu.memory_space<vmem>>, vector<1x16xf32>,
      %swap3A_846 = vector.shape_cast %swap3A_845 : vector<1x16xf32> to vector<16xf32>
      %swap3A_847 = vector.shape_cast %get3A_841 : vector<16xf32> to vector<1x16xf32>
      tpu.vector_store %arg13[%swap3A_843, %swap3A_844], %swap3A_847 {strides = array<i32>} : memref<8x128xf32, #tpu.memory_space<vmem>>, vector<1x16xf32>,
      %get3A_848 = arith.constant 38 : i32
      %get3A_849 = arith.index_cast %get3A_848 : i32 to index
      %get3A_850 = arith.constant 0 : index
      %get3A_851 = tpu.vector_load %arg10[%get3A_849, %get3A_850] {strides = array<i32>} : memref<64x128xf32, #tpu.memory_space<vmem>>, vector<1x16xf32>,
      %get3A_852 = vector.shape_cast %get3A_851 : vector<1x16xf32> to vector<16xf32>
      %swap3A_853 = arith.constant 4 : i32
      %swap3A_854 = arith.index_cast %swap3A_853 : i32 to index
      %swap3A_855 = arith.constant 96 : index
      %swap3A_856 = tpu.vector_load %arg12[%swap3A_854, %swap3A_855] {strides = array<i32>} : memref<8x128xf32, #tpu.memory_space<vmem>>, vector<1x16xf32>,
      %swap3A_857 = vector.shape_cast %swap3A_856 : vector<1x16xf32> to vector<16xf32>
      %swap3A_858 = vector.shape_cast %get3A_852 : vector<16xf32> to vector<1x16xf32>
      tpu.vector_store %arg12[%swap3A_854, %swap3A_855], %swap3A_858 {strides = array<i32>} : memref<8x128xf32, #tpu.memory_space<vmem>>, vector<1x16xf32>,
      %get3A_859 = arith.constant 38 : i32
      %get3A_860 = arith.index_cast %get3A_859 : i32 to index
      %get3A_861 = arith.constant 0 : index
      %get3A_862 = tpu.vector_load %arg11[%get3A_860, %get3A_861] {strides = array<i32>} : memref<64x128xf32, #tpu.memory_space<vmem>>, vector<1x16xf32>,
      %get3A_863 = vector.shape_cast %get3A_862 : vector<1x16xf32> to vector<16xf32>
      %swap3A_864 = arith.constant 4 : i32
      %swap3A_865 = arith.index_cast %swap3A_864 : i32 to index
      %swap3A_866 = arith.constant 96 : index
      %swap3A_867 = tpu.vector_load %arg13[%swap3A_865, %swap3A_866] {strides = array<i32>} : memref<8x128xf32, #tpu.memory_space<vmem>>, vector<1x16xf32>,
      %swap3A_868 = vector.shape_cast %swap3A_867 : vector<1x16xf32> to vector<16xf32>
      %swap3A_869 = vector.shape_cast %get3A_863 : vector<16xf32> to vector<1x16xf32>
      tpu.vector_store %arg13[%swap3A_865, %swap3A_866], %swap3A_869 {strides = array<i32>} : memref<8x128xf32, #tpu.memory_space<vmem>>, vector<1x16xf32>,
      %get3A_870 = arith.constant 39 : i32
      %get3A_871 = arith.index_cast %get3A_870 : i32 to index
      %get3A_872 = arith.constant 0 : index
      %get3A_873 = tpu.vector_load %arg10[%get3A_871, %get3A_872] {strides = array<i32>} : memref<64x128xf32, #tpu.memory_space<vmem>>, vector<1x16xf32>,
      %get3A_874 = vector.shape_cast %get3A_873 : vector<1x16xf32> to vector<16xf32>
      %swap3A_875 = arith.constant 4 : i32
      %swap3A_876 = arith.index_cast %swap3A_875 : i32 to index
      %swap3A_877 = arith.constant 112 : index
      %swap3A_878 = tpu.vector_load %arg12[%swap3A_876, %swap3A_877] {strides = array<i32>} : memref<8x128xf32, #tpu.memory_space<vmem>>, vector<1x16xf32>,
      %swap3A_879 = vector.shape_cast %swap3A_878 : vector<1x16xf32> to vector<16xf32>
      %swap3A_880 = vector.shape_cast %get3A_874 : vector<16xf32> to vector<1x16xf32>
      tpu.vector_store %arg12[%swap3A_876, %swap3A_877], %swap3A_880 {strides = array<i32>} : memref<8x128xf32, #tpu.memory_space<vmem>>, vector<1x16xf32>,
      %get3A_881 = arith.constant 39 : i32
      %get3A_882 = arith.index_cast %get3A_881 : i32 to index
      %get3A_883 = arith.constant 0 : index
      %get3A_884 = tpu.vector_load %arg11[%get3A_882, %get3A_883] {strides = array<i32>} : memref<64x128xf32, #tpu.memory_space<vmem>>, vector<1x16xf32>,
      %get3A_885 = vector.shape_cast %get3A_884 : vector<1x16xf32> to vector<16xf32>
      %swap3A_886 = arith.constant 4 : i32
      %swap3A_887 = arith.index_cast %swap3A_886 : i32 to index
      %swap3A_888 = arith.constant 112 : index
      %swap3A_889 = tpu.vector_load %arg13[%swap3A_887, %swap3A_888] {strides = array<i32>} : memref<8x128xf32, #tpu.memory_space<vmem>>, vector<1x16xf32>,
      %swap3A_890 = vector.shape_cast %swap3A_889 : vector<1x16xf32> to vector<16xf32>
      %swap3A_891 = vector.shape_cast %get3A_885 : vector<16xf32> to vector<1x16xf32>
      tpu.vector_store %arg13[%swap3A_887, %swap3A_888], %swap3A_891 {strides = array<i32>} : memref<8x128xf32, #tpu.memory_space<vmem>>, vector<1x16xf32>,
      %get3A_892 = arith.constant 40 : i32
      %get3A_893 = arith.index_cast %get3A_892 : i32 to index
      %get3A_894 = arith.constant 0 : index
      %get3A_895 = tpu.vector_load %arg10[%get3A_893, %get3A_894] {strides = array<i32>} : memref<64x128xf32, #tpu.memory_space<vmem>>, vector<1x16xf32>,
      %get3A_896 = vector.shape_cast %get3A_895 : vector<1x16xf32> to vector<16xf32>
      %swap3A_897 = arith.constant 5 : i32
      %swap3A_898 = arith.index_cast %swap3A_897 : i32 to index
      %swap3A_899 = arith.constant 0 : index
      %swap3A_900 = tpu.vector_load %arg12[%swap3A_898, %swap3A_899] {strides = array<i32>} : memref<8x128xf32, #tpu.memory_space<vmem>>, vector<1x16xf32>,
      %swap3A_901 = vector.shape_cast %swap3A_900 : vector<1x16xf32> to vector<16xf32>
      %swap3A_902 = vector.shape_cast %get3A_896 : vector<16xf32> to vector<1x16xf32>
      tpu.vector_store %arg12[%swap3A_898, %swap3A_899], %swap3A_902 {strides = array<i32>} : memref<8x128xf32, #tpu.memory_space<vmem>>, vector<1x16xf32>,
      %get3A_903 = arith.constant 40 : i32
      %get3A_904 = arith.index_cast %get3A_903 : i32 to index
      %get3A_905 = arith.constant 0 : index
      %get3A_906 = tpu.vector_load %arg11[%get3A_904, %get3A_905] {strides = array<i32>} : memref<64x128xf32, #tpu.memory_space<vmem>>, vector<1x16xf32>,
      %get3A_907 = vector.shape_cast %get3A_906 : vector<1x16xf32> to vector<16xf32>
      %swap3A_908 = arith.constant 5 : i32
      %swap3A_909 = arith.index_cast %swap3A_908 : i32 to index
      %swap3A_910 = arith.constant 0 : index
      %swap3A_911 = tpu.vector_load %arg13[%swap3A_909, %swap3A_910] {strides = array<i32>} : memref<8x128xf32, #tpu.memory_space<vmem>>, vector<1x16xf32>,
      %swap3A_912 = vector.shape_cast %swap3A_911 : vector<1x16xf32> to vector<16xf32>
      %swap3A_913 = vector.shape_cast %get3A_907 : vector<16xf32> to vector<1x16xf32>
      tpu.vector_store %arg13[%swap3A_909, %swap3A_910], %swap3A_913 {strides = array<i32>} : memref<8x128xf32, #tpu.memory_space<vmem>>, vector<1x16xf32>,
      %get3A_914 = arith.constant 41 : i32
      %get3A_915 = arith.index_cast %get3A_914 : i32 to index
      %get3A_916 = arith.constant 0 : index
      %get3A_917 = tpu.vector_load %arg10[%get3A_915, %get3A_916] {strides = array<i32>} : memref<64x128xf32, #tpu.memory_space<vmem>>, vector<1x16xf32>,
      %get3A_918 = vector.shape_cast %get3A_917 : vector<1x16xf32> to vector<16xf32>
      %swap3A_919 = arith.constant 5 : i32
      %swap3A_920 = arith.index_cast %swap3A_919 : i32 to index
      %swap3A_921 = arith.constant 16 : index
      %swap3A_922 = tpu.vector_load %arg12[%swap3A_920, %swap3A_921] {strides = array<i32>} : memref<8x128xf32, #tpu.memory_space<vmem>>, vector<1x16xf32>,
      %swap3A_923 = vector.shape_cast %swap3A_922 : vector<1x16xf32> to vector<16xf32>
      %swap3A_924 = vector.shape_cast %get3A_918 : vector<16xf32> to vector<1x16xf32>
      tpu.vector_store %arg12[%swap3A_920, %swap3A_921], %swap3A_924 {strides = array<i32>} : memref<8x128xf32, #tpu.memory_space<vmem>>, vector<1x16xf32>,
      %get3A_925 = arith.constant 41 : i32
      %get3A_926 = arith.index_cast %get3A_925 : i32 to index
      %get3A_927 = arith.constant 0 : index
      %get3A_928 = tpu.vector_load %arg11[%get3A_926, %get3A_927] {strides = array<i32>} : memref<64x128xf32, #tpu.memory_space<vmem>>, vector<1x16xf32>,
      %get3A_929 = vector.shape_cast %get3A_928 : vector<1x16xf32> to vector<16xf32>
      %swap3A_930 = arith.constant 5 : i32
      %swap3A_931 = arith.index_cast %swap3A_930 : i32 to index
      %swap3A_932 = arith.constant 16 : index
      %swap3A_933 = tpu.vector_load %arg13[%swap3A_931, %swap3A_932] {strides = array<i32>} : memref<8x128xf32, #tpu.memory_space<vmem>>, vector<1x16xf32>,
      %swap3A_934 = vector.shape_cast %swap3A_933 : vector<1x16xf32> to vector<16xf32>
      %swap3A_935 = vector.shape_cast %get3A_929 : vector<16xf32> to vector<1x16xf32>
      tpu.vector_store %arg13[%swap3A_931, %swap3A_932], %swap3A_935 {strides = array<i32>} : memref<8x128xf32, #tpu.memory_space<vmem>>, vector<1x16xf32>,
      %get3A_936 = arith.constant 42 : i32
      %get3A_937 = arith.index_cast %get3A_936 : i32 to index
      %get3A_938 = arith.constant 0 : index
      %get3A_939 = tpu.vector_load %arg10[%get3A_937, %get3A_938] {strides = array<i32>} : memref<64x128xf32, #tpu.memory_space<vmem>>, vector<1x16xf32>,
      %get3A_940 = vector.shape_cast %get3A_939 : vector<1x16xf32> to vector<16xf32>
      %swap3A_941 = arith.constant 5 : i32
      %swap3A_942 = arith.index_cast %swap3A_941 : i32 to index
      %swap3A_943 = arith.constant 32 : index
      %swap3A_944 = tpu.vector_load %arg12[%swap3A_942, %swap3A_943] {strides = array<i32>} : memref<8x128xf32, #tpu.memory_space<vmem>>, vector<1x16xf32>,
      %swap3A_945 = vector.shape_cast %swap3A_944 : vector<1x16xf32> to vector<16xf32>
      %swap3A_946 = vector.shape_cast %get3A_940 : vector<16xf32> to vector<1x16xf32>
      tpu.vector_store %arg12[%swap3A_942, %swap3A_943], %swap3A_946 {strides = array<i32>} : memref<8x128xf32, #tpu.memory_space<vmem>>, vector<1x16xf32>,
      %get3A_947 = arith.constant 42 : i32
      %get3A_948 = arith.index_cast %get3A_947 : i32 to index
      %get3A_949 = arith.constant 0 : index
      %get3A_950 = tpu.vector_load %arg11[%get3A_948, %get3A_949] {strides = array<i32>} : memref<64x128xf32, #tpu.memory_space<vmem>>, vector<1x16xf32>,
      %get3A_951 = vector.shape_cast %get3A_950 : vector<1x16xf32> to vector<16xf32>
      %swap3A_952 = arith.constant 5 : i32
      %swap3A_953 = arith.index_cast %swap3A_952 : i32 to index
      %swap3A_954 = arith.constant 32 : index
      %swap3A_955 = tpu.vector_load %arg13[%swap3A_953, %swap3A_954] {strides = array<i32>} : memref<8x128xf32, #tpu.memory_space<vmem>>, vector<1x16xf32>,
      %swap3A_956 = vector.shape_cast %swap3A_955 : vector<1x16xf32> to vector<16xf32>
      %swap3A_957 = vector.shape_cast %get3A_951 : vector<16xf32> to vector<1x16xf32>
      tpu.vector_store %arg13[%swap3A_953, %swap3A_954], %swap3A_957 {strides = array<i32>} : memref<8x128xf32, #tpu.memory_space<vmem>>, vector<1x16xf32>,
      %get3A_958 = arith.constant 43 : i32
      %get3A_959 = arith.index_cast %get3A_958 : i32 to index
      %get3A_960 = arith.constant 0 : index
      %get3A_961 = tpu.vector_load %arg10[%get3A_959, %get3A_960] {strides = array<i32>} : memref<64x128xf32, #tpu.memory_space<vmem>>, vector<1x16xf32>,
      %get3A_962 = vector.shape_cast %get3A_961 : vector<1x16xf32> to vector<16xf32>
      %swap3A_963 = arith.constant 5 : i32
      %swap3A_964 = arith.index_cast %swap3A_963 : i32 to index
      %swap3A_965 = arith.constant 48 : index
      %swap3A_966 = tpu.vector_load %arg12[%swap3A_964, %swap3A_965] {strides = array<i32>} : memref<8x128xf32, #tpu.memory_space<vmem>>, vector<1x16xf32>,
      %swap3A_967 = vector.shape_cast %swap3A_966 : vector<1x16xf32> to vector<16xf32>
      %swap3A_968 = vector.shape_cast %get3A_962 : vector<16xf32> to vector<1x16xf32>
      tpu.vector_store %arg12[%swap3A_964, %swap3A_965], %swap3A_968 {strides = array<i32>} : memref<8x128xf32, #tpu.memory_space<vmem>>, vector<1x16xf32>,
      %get3A_969 = arith.constant 43 : i32
      %get3A_970 = arith.index_cast %get3A_969 : i32 to index
      %get3A_971 = arith.constant 0 : index
      %get3A_972 = tpu.vector_load %arg11[%get3A_970, %get3A_971] {strides = array<i32>} : memref<64x128xf32, #tpu.memory_space<vmem>>, vector<1x16xf32>,
      %get3A_973 = vector.shape_cast %get3A_972 : vector<1x16xf32> to vector<16xf32>
      %swap3A_974 = arith.constant 5 : i32
      %swap3A_975 = arith.index_cast %swap3A_974 : i32 to index
      %swap3A_976 = arith.constant 48 : index
      %swap3A_977 = tpu.vector_load %arg13[%swap3A_975, %swap3A_976] {strides = array<i32>} : memref<8x128xf32, #tpu.memory_space<vmem>>, vector<1x16xf32>,
      %swap3A_978 = vector.shape_cast %swap3A_977 : vector<1x16xf32> to vector<16xf32>
      %swap3A_979 = vector.shape_cast %get3A_973 : vector<16xf32> to vector<1x16xf32>
      tpu.vector_store %arg13[%swap3A_975, %swap3A_976], %swap3A_979 {strides = array<i32>} : memref<8x128xf32, #tpu.memory_space<vmem>>, vector<1x16xf32>,
      %get3A_980 = arith.constant 44 : i32
      %get3A_981 = arith.index_cast %get3A_980 : i32 to index
      %get3A_982 = arith.constant 0 : index
      %get3A_983 = tpu.vector_load %arg10[%get3A_981, %get3A_982] {strides = array<i32>} : memref<64x128xf32, #tpu.memory_space<vmem>>, vector<1x16xf32>,
      %get3A_984 = vector.shape_cast %get3A_983 : vector<1x16xf32> to vector<16xf32>
      %swap3A_985 = arith.constant 5 : i32
      %swap3A_986 = arith.index_cast %swap3A_985 : i32 to index
      %swap3A_987 = arith.constant 64 : index
      %swap3A_988 = tpu.vector_load %arg12[%swap3A_986, %swap3A_987] {strides = array<i32>} : memref<8x128xf32, #tpu.memory_space<vmem>>, vector<1x16xf32>,
      %swap3A_989 = vector.shape_cast %swap3A_988 : vector<1x16xf32> to vector<16xf32>
      %swap3A_990 = vector.shape_cast %get3A_984 : vector<16xf32> to vector<1x16xf32>
      tpu.vector_store %arg12[%swap3A_986, %swap3A_987], %swap3A_990 {strides = array<i32>} : memref<8x128xf32, #tpu.memory_space<vmem>>, vector<1x16xf32>,
      %get3A_991 = arith.constant 44 : i32
      %get3A_992 = arith.index_cast %get3A_991 : i32 to index
      %get3A_993 = arith.constant 0 : index
      %get3A_994 = tpu.vector_load %arg11[%get3A_992, %get3A_993] {strides = array<i32>} : memref<64x128xf32, #tpu.memory_space<vmem>>, vector<1x16xf32>,
      %get3A_995 = vector.shape_cast %get3A_994 : vector<1x16xf32> to vector<16xf32>
      %swap3A_996 = arith.constant 5 : i32
      %swap3A_997 = arith.index_cast %swap3A_996 : i32 to index
      %swap3A_998 = arith.constant 64 : index
      %swap3A_999 = tpu.vector_load %arg13[%swap3A_997, %swap3A_998] {strides = array<i32>} : memref<8x128xf32, #tpu.memory_space<vmem>>, vector<1x16xf32>,
      %swap3A_1000 = vector.shape_cast %swap3A_999 : vector<1x16xf32> to vector<16xf32>
      %swap3A_1001 = vector.shape_cast %get3A_995 : vector<16xf32> to vector<1x16xf32>
      tpu.vector_store %arg13[%swap3A_997, %swap3A_998], %swap3A_1001 {strides = array<i32>} : memref<8x128xf32, #tpu.memory_space<vmem>>, vector<1x16xf32>,
      %get3A_1002 = arith.constant 45 : i32
      %get3A_1003 = arith.index_cast %get3A_1002 : i32 to index
      %get3A_1004 = arith.constant 0 : index
      %get3A_1005 = tpu.vector_load %arg10[%get3A_1003, %get3A_1004] {strides = array<i32>} : memref<64x128xf32, #tpu.memory_space<vmem>>, vector<1x16xf32>,
      %get3A_1006 = vector.shape_cast %get3A_1005 : vector<1x16xf32> to vector<16xf32>
      %swap3A_1007 = arith.constant 5 : i32
      %swap3A_1008 = arith.index_cast %swap3A_1007 : i32 to index
      %swap3A_1009 = arith.constant 80 : index
      %swap3A_1010 = tpu.vector_load %arg12[%swap3A_1008, %swap3A_1009] {strides = array<i32>} : memref<8x128xf32, #tpu.memory_space<vmem>>, vector<1x16xf32>,
      %swap3A_1011 = vector.shape_cast %swap3A_1010 : vector<1x16xf32> to vector<16xf32>
      %swap3A_1012 = vector.shape_cast %get3A_1006 : vector<16xf32> to vector<1x16xf32>
      tpu.vector_store %arg12[%swap3A_1008, %swap3A_1009], %swap3A_1012 {strides = array<i32>} : memref<8x128xf32, #tpu.memory_space<vmem>>, vector<1x16xf32>,
      %get3A_1013 = arith.constant 45 : i32
      %get3A_1014 = arith.index_cast %get3A_1013 : i32 to index
      %get3A_1015 = arith.constant 0 : index
      %get3A_1016 = tpu.vector_load %arg11[%get3A_1014, %get3A_1015] {strides = array<i32>} : memref<64x128xf32, #tpu.memory_space<vmem>>, vector<1x16xf32>,
      %get3A_1017 = vector.shape_cast %get3A_1016 : vector<1x16xf32> to vector<16xf32>
      %swap3A_1018 = arith.constant 5 : i32
      %swap3A_1019 = arith.index_cast %swap3A_1018 : i32 to index
      %swap3A_1020 = arith.constant 80 : index
      %swap3A_1021 = tpu.vector_load %arg13[%swap3A_1019, %swap3A_1020] {strides = array<i32>} : memref<8x128xf32, #tpu.memory_space<vmem>>, vector<1x16xf32>,
      %swap3A_1022 = vector.shape_cast %swap3A_1021 : vector<1x16xf32> to vector<16xf32>
      %swap3A_1023 = vector.shape_cast %get3A_1017 : vector<16xf32> to vector<1x16xf32>
      tpu.vector_store %arg13[%swap3A_1019, %swap3A_1020], %swap3A_1023 {strides = array<i32>} : memref<8x128xf32, #tpu.memory_space<vmem>>, vector<1x16xf32>,
      %get3A_1024 = arith.constant 46 : i32
      %get3A_1025 = arith.index_cast %get3A_1024 : i32 to index
      %get3A_1026 = arith.constant 0 : index
      %get3A_1027 = tpu.vector_load %arg10[%get3A_1025, %get3A_1026] {strides = array<i32>} : memref<64x128xf32, #tpu.memory_space<vmem>>, vector<1x16xf32>,
      %get3A_1028 = vector.shape_cast %get3A_1027 : vector<1x16xf32> to vector<16xf32>
      %swap3A_1029 = arith.constant 5 : i32
      %swap3A_1030 = arith.index_cast %swap3A_1029 : i32 to index
      %swap3A_1031 = arith.constant 96 : index
      %swap3A_1032 = tpu.vector_load %arg12[%swap3A_1030, %swap3A_1031] {strides = array<i32>} : memref<8x128xf32, #tpu.memory_space<vmem>>, vector<1x16xf32>,
      %swap3A_1033 = vector.shape_cast %swap3A_1032 : vector<1x16xf32> to vector<16xf32>
      %swap3A_1034 = vector.shape_cast %get3A_1028 : vector<16xf32> to vector<1x16xf32>
      tpu.vector_store %arg12[%swap3A_1030, %swap3A_1031], %swap3A_1034 {strides = array<i32>} : memref<8x128xf32, #tpu.memory_space<vmem>>, vector<1x16xf32>,
      %get3A_1035 = arith.constant 46 : i32
      %get3A_1036 = arith.index_cast %get3A_1035 : i32 to index
      %get3A_1037 = arith.constant 0 : index
      %get3A_1038 = tpu.vector_load %arg11[%get3A_1036, %get3A_1037] {strides = array<i32>} : memref<64x128xf32, #tpu.memory_space<vmem>>, vector<1x16xf32>,
      %get3A_1039 = vector.shape_cast %get3A_1038 : vector<1x16xf32> to vector<16xf32>
      %swap3A_1040 = arith.constant 5 : i32
      %swap3A_1041 = arith.index_cast %swap3A_1040 : i32 to index
      %swap3A_1042 = arith.constant 96 : index
      %swap3A_1043 = tpu.vector_load %arg13[%swap3A_1041, %swap3A_1042] {strides = array<i32>} : memref<8x128xf32, #tpu.memory_space<vmem>>, vector<1x16xf32>,
      %swap3A_1044 = vector.shape_cast %swap3A_1043 : vector<1x16xf32> to vector<16xf32>
      %swap3A_1045 = vector.shape_cast %get3A_1039 : vector<16xf32> to vector<1x16xf32>
      tpu.vector_store %arg13[%swap3A_1041, %swap3A_1042], %swap3A_1045 {strides = array<i32>} : memref<8x128xf32, #tpu.memory_space<vmem>>, vector<1x16xf32>,
      %get3A_1046 = arith.constant 47 : i32
      %get3A_1047 = arith.index_cast %get3A_1046 : i32 to index
      %get3A_1048 = arith.constant 0 : index
      %get3A_1049 = tpu.vector_load %arg10[%get3A_1047, %get3A_1048] {strides = array<i32>} : memref<64x128xf32, #tpu.memory_space<vmem>>, vector<1x16xf32>,
      %get3A_1050 = vector.shape_cast %get3A_1049 : vector<1x16xf32> to vector<16xf32>
      %swap3A_1051 = arith.constant 5 : i32
      %swap3A_1052 = arith.index_cast %swap3A_1051 : i32 to index
      %swap3A_1053 = arith.constant 112 : index
      %swap3A_1054 = tpu.vector_load %arg12[%swap3A_1052, %swap3A_1053] {strides = array<i32>} : memref<8x128xf32, #tpu.memory_space<vmem>>, vector<1x16xf32>,
      %swap3A_1055 = vector.shape_cast %swap3A_1054 : vector<1x16xf32> to vector<16xf32>
      %swap3A_1056 = vector.shape_cast %get3A_1050 : vector<16xf32> to vector<1x16xf32>
      tpu.vector_store %arg12[%swap3A_1052, %swap3A_1053], %swap3A_1056 {strides = array<i32>} : memref<8x128xf32, #tpu.memory_space<vmem>>, vector<1x16xf32>,
      %get3A_1057 = arith.constant 47 : i32
      %get3A_1058 = arith.index_cast %get3A_1057 : i32 to index
      %get3A_1059 = arith.constant 0 : index
      %get3A_1060 = tpu.vector_load %arg11[%get3A_1058, %get3A_1059] {strides = array<i32>} : memref<64x128xf32, #tpu.memory_space<vmem>>, vector<1x16xf32>,
      %get3A_1061 = vector.shape_cast %get3A_1060 : vector<1x16xf32> to vector<16xf32>
      %swap3A_1062 = arith.constant 5 : i32
      %swap3A_1063 = arith.index_cast %swap3A_1062 : i32 to index
      %swap3A_1064 = arith.constant 112 : index
      %swap3A_1065 = tpu.vector_load %arg13[%swap3A_1063, %swap3A_1064] {strides = array<i32>} : memref<8x128xf32, #tpu.memory_space<vmem>>, vector<1x16xf32>,
      %swap3A_1066 = vector.shape_cast %swap3A_1065 : vector<1x16xf32> to vector<16xf32>
      %swap3A_1067 = vector.shape_cast %get3A_1061 : vector<16xf32> to vector<1x16xf32>
      tpu.vector_store %arg13[%swap3A_1063, %swap3A_1064], %swap3A_1067 {strides = array<i32>} : memref<8x128xf32, #tpu.memory_space<vmem>>, vector<1x16xf32>,
      %get3A_1068 = arith.constant 48 : i32
      %get3A_1069 = arith.index_cast %get3A_1068 : i32 to index
      %get3A_1070 = arith.constant 0 : index
      %get3A_1071 = tpu.vector_load %arg10[%get3A_1069, %get3A_1070] {strides = array<i32>} : memref<64x128xf32, #tpu.memory_space<vmem>>, vector<1x16xf32>,
      %get3A_1072 = vector.shape_cast %get3A_1071 : vector<1x16xf32> to vector<16xf32>
      %swap3A_1073 = arith.constant 6 : i32
      %swap3A_1074 = arith.index_cast %swap3A_1073 : i32 to index
      %swap3A_1075 = arith.constant 0 : index
      %swap3A_1076 = tpu.vector_load %arg12[%swap3A_1074, %swap3A_1075] {strides = array<i32>} : memref<8x128xf32, #tpu.memory_space<vmem>>, vector<1x16xf32>,
      %swap3A_1077 = vector.shape_cast %swap3A_1076 : vector<1x16xf32> to vector<16xf32>
      %swap3A_1078 = vector.shape_cast %get3A_1072 : vector<16xf32> to vector<1x16xf32>
      tpu.vector_store %arg12[%swap3A_1074, %swap3A_1075], %swap3A_1078 {strides = array<i32>} : memref<8x128xf32, #tpu.memory_space<vmem>>, vector<1x16xf32>,
      %get3A_1079 = arith.constant 48 : i32
      %get3A_1080 = arith.index_cast %get3A_1079 : i32 to index
      %get3A_1081 = arith.constant 0 : index
      %get3A_1082 = tpu.vector_load %arg11[%get3A_1080, %get3A_1081] {strides = array<i32>} : memref<64x128xf32, #tpu.memory_space<vmem>>, vector<1x16xf32>,
      %get3A_1083 = vector.shape_cast %get3A_1082 : vector<1x16xf32> to vector<16xf32>
      %swap3A_1084 = arith.constant 6 : i32
      %swap3A_1085 = arith.index_cast %swap3A_1084 : i32 to index
      %swap3A_1086 = arith.constant 0 : index
      %swap3A_1087 = tpu.vector_load %arg13[%swap3A_1085, %swap3A_1086] {strides = array<i32>} : memref<8x128xf32, #tpu.memory_space<vmem>>, vector<1x16xf32>,
      %swap3A_1088 = vector.shape_cast %swap3A_1087 : vector<1x16xf32> to vector<16xf32>
      %swap3A_1089 = vector.shape_cast %get3A_1083 : vector<16xf32> to vector<1x16xf32>
      tpu.vector_store %arg13[%swap3A_1085, %swap3A_1086], %swap3A_1089 {strides = array<i32>} : memref<8x128xf32, #tpu.memory_space<vmem>>, vector<1x16xf32>,
      %get3A_1090 = arith.constant 49 : i32
      %get3A_1091 = arith.index_cast %get3A_1090 : i32 to index
      %get3A_1092 = arith.constant 0 : index
      %get3A_1093 = tpu.vector_load %arg10[%get3A_1091, %get3A_1092] {strides = array<i32>} : memref<64x128xf32, #tpu.memory_space<vmem>>, vector<1x16xf32>,
      %get3A_1094 = vector.shape_cast %get3A_1093 : vector<1x16xf32> to vector<16xf32>
      %swap3A_1095 = arith.constant 6 : i32
      %swap3A_1096 = arith.index_cast %swap3A_1095 : i32 to index
      %swap3A_1097 = arith.constant 16 : index
      %swap3A_1098 = tpu.vector_load %arg12[%swap3A_1096, %swap3A_1097] {strides = array<i32>} : memref<8x128xf32, #tpu.memory_space<vmem>>, vector<1x16xf32>,
      %swap3A_1099 = vector.shape_cast %swap3A_1098 : vector<1x16xf32> to vector<16xf32>
      %swap3A_1100 = vector.shape_cast %get3A_1094 : vector<16xf32> to vector<1x16xf32>
      tpu.vector_store %arg12[%swap3A_1096, %swap3A_1097], %swap3A_1100 {strides = array<i32>} : memref<8x128xf32, #tpu.memory_space<vmem>>, vector<1x16xf32>,
      %get3A_1101 = arith.constant 49 : i32
      %get3A_1102 = arith.index_cast %get3A_1101 : i32 to index
      %get3A_1103 = arith.constant 0 : index
      %get3A_1104 = tpu.vector_load %arg11[%get3A_1102, %get3A_1103] {strides = array<i32>} : memref<64x128xf32, #tpu.memory_space<vmem>>, vector<1x16xf32>,
      %get3A_1105 = vector.shape_cast %get3A_1104 : vector<1x16xf32> to vector<16xf32>
      %swap3A_1106 = arith.constant 6 : i32
      %swap3A_1107 = arith.index_cast %swap3A_1106 : i32 to index
      %swap3A_1108 = arith.constant 16 : index
      %swap3A_1109 = tpu.vector_load %arg13[%swap3A_1107, %swap3A_1108] {strides = array<i32>} : memref<8x128xf32, #tpu.memory_space<vmem>>, vector<1x16xf32>,
      %swap3A_1110 = vector.shape_cast %swap3A_1109 : vector<1x16xf32> to vector<16xf32>
      %swap3A_1111 = vector.shape_cast %get3A_1105 : vector<16xf32> to vector<1x16xf32>
      tpu.vector_store %arg13[%swap3A_1107, %swap3A_1108], %swap3A_1111 {strides = array<i32>} : memref<8x128xf32, #tpu.memory_space<vmem>>, vector<1x16xf32>,
      %get3A_1112 = arith.constant 50 : i32
      %get3A_1113 = arith.index_cast %get3A_1112 : i32 to index
      %get3A_1114 = arith.constant 0 : index
      %get3A_1115 = tpu.vector_load %arg10[%get3A_1113, %get3A_1114] {strides = array<i32>} : memref<64x128xf32, #tpu.memory_space<vmem>>, vector<1x16xf32>,
      %get3A_1116 = vector.shape_cast %get3A_1115 : vector<1x16xf32> to vector<16xf32>
      %swap3A_1117 = arith.constant 6 : i32
      %swap3A_1118 = arith.index_cast %swap3A_1117 : i32 to index
      %swap3A_1119 = arith.constant 32 : index
      %swap3A_1120 = tpu.vector_load %arg12[%swap3A_1118, %swap3A_1119] {strides = array<i32>} : memref<8x128xf32, #tpu.memory_space<vmem>>, vector<1x16xf32>,
      %swap3A_1121 = vector.shape_cast %swap3A_1120 : vector<1x16xf32> to vector<16xf32>
      %swap3A_1122 = vector.shape_cast %get3A_1116 : vector<16xf32> to vector<1x16xf32>
      tpu.vector_store %arg12[%swap3A_1118, %swap3A_1119], %swap3A_1122 {strides = array<i32>} : memref<8x128xf32, #tpu.memory_space<vmem>>, vector<1x16xf32>,
      %get3A_1123 = arith.constant 50 : i32
      %get3A_1124 = arith.index_cast %get3A_1123 : i32 to index
      %get3A_1125 = arith.constant 0 : index
      %get3A_1126 = tpu.vector_load %arg11[%get3A_1124, %get3A_1125] {strides = array<i32>} : memref<64x128xf32, #tpu.memory_space<vmem>>, vector<1x16xf32>,
      %get3A_1127 = vector.shape_cast %get3A_1126 : vector<1x16xf32> to vector<16xf32>
      %swap3A_1128 = arith.constant 6 : i32
      %swap3A_1129 = arith.index_cast %swap3A_1128 : i32 to index
      %swap3A_1130 = arith.constant 32 : index
      %swap3A_1131 = tpu.vector_load %arg13[%swap3A_1129, %swap3A_1130] {strides = array<i32>} : memref<8x128xf32, #tpu.memory_space<vmem>>, vector<1x16xf32>,
      %swap3A_1132 = vector.shape_cast %swap3A_1131 : vector<1x16xf32> to vector<16xf32>
      %swap3A_1133 = vector.shape_cast %get3A_1127 : vector<16xf32> to vector<1x16xf32>
      tpu.vector_store %arg13[%swap3A_1129, %swap3A_1130], %swap3A_1133 {strides = array<i32>} : memref<8x128xf32, #tpu.memory_space<vmem>>, vector<1x16xf32>,
      %get3A_1134 = arith.constant 51 : i32
      %get3A_1135 = arith.index_cast %get3A_1134 : i32 to index
      %get3A_1136 = arith.constant 0 : index
      %get3A_1137 = tpu.vector_load %arg10[%get3A_1135, %get3A_1136] {strides = array<i32>} : memref<64x128xf32, #tpu.memory_space<vmem>>, vector<1x16xf32>,
      %get3A_1138 = vector.shape_cast %get3A_1137 : vector<1x16xf32> to vector<16xf32>
      %swap3A_1139 = arith.constant 6 : i32
      %swap3A_1140 = arith.index_cast %swap3A_1139 : i32 to index
      %swap3A_1141 = arith.constant 48 : index
      %swap3A_1142 = tpu.vector_load %arg12[%swap3A_1140, %swap3A_1141] {strides = array<i32>} : memref<8x128xf32, #tpu.memory_space<vmem>>, vector<1x16xf32>,
      %swap3A_1143 = vector.shape_cast %swap3A_1142 : vector<1x16xf32> to vector<16xf32>
      %swap3A_1144 = vector.shape_cast %get3A_1138 : vector<16xf32> to vector<1x16xf32>
      tpu.vector_store %arg12[%swap3A_1140, %swap3A_1141], %swap3A_1144 {strides = array<i32>} : memref<8x128xf32, #tpu.memory_space<vmem>>, vector<1x16xf32>,
      %get3A_1145 = arith.constant 51 : i32
      %get3A_1146 = arith.index_cast %get3A_1145 : i32 to index
      %get3A_1147 = arith.constant 0 : index
      %get3A_1148 = tpu.vector_load %arg11[%get3A_1146, %get3A_1147] {strides = array<i32>} : memref<64x128xf32, #tpu.memory_space<vmem>>, vector<1x16xf32>,
      %get3A_1149 = vector.shape_cast %get3A_1148 : vector<1x16xf32> to vector<16xf32>
      %swap3A_1150 = arith.constant 6 : i32
      %swap3A_1151 = arith.index_cast %swap3A_1150 : i32 to index
      %swap3A_1152 = arith.constant 48 : index
      %swap3A_1153 = tpu.vector_load %arg13[%swap3A_1151, %swap3A_1152] {strides = array<i32>} : memref<8x128xf32, #tpu.memory_space<vmem>>, vector<1x16xf32>,
      %swap3A_1154 = vector.shape_cast %swap3A_1153 : vector<1x16xf32> to vector<16xf32>
      %swap3A_1155 = vector.shape_cast %get3A_1149 : vector<16xf32> to vector<1x16xf32>
      tpu.vector_store %arg13[%swap3A_1151, %swap3A_1152], %swap3A_1155 {strides = array<i32>} : memref<8x128xf32, #tpu.memory_space<vmem>>, vector<1x16xf32>,
      %get3A_1156 = arith.constant 52 : i32
      %get3A_1157 = arith.index_cast %get3A_1156 : i32 to index
      %get3A_1158 = arith.constant 0 : index
      %get3A_1159 = tpu.vector_load %arg10[%get3A_1157, %get3A_1158] {strides = array<i32>} : memref<64x128xf32, #tpu.memory_space<vmem>>, vector<1x16xf32>,
      %get3A_1160 = vector.shape_cast %get3A_1159 : vector<1x16xf32> to vector<16xf32>
      %swap3A_1161 = arith.constant 6 : i32
      %swap3A_1162 = arith.index_cast %swap3A_1161 : i32 to index
      %swap3A_1163 = arith.constant 64 : index
      %swap3A_1164 = tpu.vector_load %arg12[%swap3A_1162, %swap3A_1163] {strides = array<i32>} : memref<8x128xf32, #tpu.memory_space<vmem>>, vector<1x16xf32>,
      %swap3A_1165 = vector.shape_cast %swap3A_1164 : vector<1x16xf32> to vector<16xf32>
      %swap3A_1166 = vector.shape_cast %get3A_1160 : vector<16xf32> to vector<1x16xf32>
      tpu.vector_store %arg12[%swap3A_1162, %swap3A_1163], %swap3A_1166 {strides = array<i32>} : memref<8x128xf32, #tpu.memory_space<vmem>>, vector<1x16xf32>,
      %get3A_1167 = arith.constant 52 : i32
      %get3A_1168 = arith.index_cast %get3A_1167 : i32 to index
      %get3A_1169 = arith.constant 0 : index
      %get3A_1170 = tpu.vector_load %arg11[%get3A_1168, %get3A_1169] {strides = array<i32>} : memref<64x128xf32, #tpu.memory_space<vmem>>, vector<1x16xf32>,
      %get3A_1171 = vector.shape_cast %get3A_1170 : vector<1x16xf32> to vector<16xf32>
      %swap3A_1172 = arith.constant 6 : i32
      %swap3A_1173 = arith.index_cast %swap3A_1172 : i32 to index
      %swap3A_1174 = arith.constant 64 : index
      %swap3A_1175 = tpu.vector_load %arg13[%swap3A_1173, %swap3A_1174] {strides = array<i32>} : memref<8x128xf32, #tpu.memory_space<vmem>>, vector<1x16xf32>,
      %swap3A_1176 = vector.shape_cast %swap3A_1175 : vector<1x16xf32> to vector<16xf32>
      %swap3A_1177 = vector.shape_cast %get3A_1171 : vector<16xf32> to vector<1x16xf32>
      tpu.vector_store %arg13[%swap3A_1173, %swap3A_1174], %swap3A_1177 {strides = array<i32>} : memref<8x128xf32, #tpu.memory_space<vmem>>, vector<1x16xf32>,
      %get3A_1178 = arith.constant 53 : i32
      %get3A_1179 = arith.index_cast %get3A_1178 : i32 to index
      %get3A_1180 = arith.constant 0 : index
      %get3A_1181 = tpu.vector_load %arg10[%get3A_1179, %get3A_1180] {strides = array<i32>} : memref<64x128xf32, #tpu.memory_space<vmem>>, vector<1x16xf32>,
      %get3A_1182 = vector.shape_cast %get3A_1181 : vector<1x16xf32> to vector<16xf32>
      %swap3A_1183 = arith.constant 6 : i32
      %swap3A_1184 = arith.index_cast %swap3A_1183 : i32 to index
      %swap3A_1185 = arith.constant 80 : index
      %swap3A_1186 = tpu.vector_load %arg12[%swap3A_1184, %swap3A_1185] {strides = array<i32>} : memref<8x128xf32, #tpu.memory_space<vmem>>, vector<1x16xf32>,
      %swap3A_1187 = vector.shape_cast %swap3A_1186 : vector<1x16xf32> to vector<16xf32>
      %swap3A_1188 = vector.shape_cast %get3A_1182 : vector<16xf32> to vector<1x16xf32>
      tpu.vector_store %arg12[%swap3A_1184, %swap3A_1185], %swap3A_1188 {strides = array<i32>} : memref<8x128xf32, #tpu.memory_space<vmem>>, vector<1x16xf32>,
      %get3A_1189 = arith.constant 53 : i32
      %get3A_1190 = arith.index_cast %get3A_1189 : i32 to index
      %get3A_1191 = arith.constant 0 : index
      %get3A_1192 = tpu.vector_load %arg11[%get3A_1190, %get3A_1191] {strides = array<i32>} : memref<64x128xf32, #tpu.memory_space<vmem>>, vector<1x16xf32>,
      %get3A_1193 = vector.shape_cast %get3A_1192 : vector<1x16xf32> to vector<16xf32>
      %swap3A_1194 = arith.constant 6 : i32
      %swap3A_1195 = arith.index_cast %swap3A_1194 : i32 to index
      %swap3A_1196 = arith.constant 80 : index
      %swap3A_1197 = tpu.vector_load %arg13[%swap3A_1195, %swap3A_1196] {strides = array<i32>} : memref<8x128xf32, #tpu.memory_space<vmem>>, vector<1x16xf32>,
      %swap3A_1198 = vector.shape_cast %swap3A_1197 : vector<1x16xf32> to vector<16xf32>
      %swap3A_1199 = vector.shape_cast %get3A_1193 : vector<16xf32> to vector<1x16xf32>
      tpu.vector_store %arg13[%swap3A_1195, %swap3A_1196], %swap3A_1199 {strides = array<i32>} : memref<8x128xf32, #tpu.memory_space<vmem>>, vector<1x16xf32>,
      %get3A_1200 = arith.constant 54 : i32
      %get3A_1201 = arith.index_cast %get3A_1200 : i32 to index
      %get3A_1202 = arith.constant 0 : index
      %get3A_1203 = tpu.vector_load %arg10[%get3A_1201, %get3A_1202] {strides = array<i32>} : memref<64x128xf32, #tpu.memory_space<vmem>>, vector<1x16xf32>,
      %get3A_1204 = vector.shape_cast %get3A_1203 : vector<1x16xf32> to vector<16xf32>
      %swap3A_1205 = arith.constant 6 : i32
      %swap3A_1206 = arith.index_cast %swap3A_1205 : i32 to index
      %swap3A_1207 = arith.constant 96 : index
      %swap3A_1208 = tpu.vector_load %arg12[%swap3A_1206, %swap3A_1207] {strides = array<i32>} : memref<8x128xf32, #tpu.memory_space<vmem>>, vector<1x16xf32>,
      %swap3A_1209 = vector.shape_cast %swap3A_1208 : vector<1x16xf32> to vector<16xf32>
      %swap3A_1210 = vector.shape_cast %get3A_1204 : vector<16xf32> to vector<1x16xf32>
      tpu.vector_store %arg12[%swap3A_1206, %swap3A_1207], %swap3A_1210 {strides = array<i32>} : memref<8x128xf32, #tpu.memory_space<vmem>>, vector<1x16xf32>,
      %get3A_1211 = arith.constant 54 : i32
      %get3A_1212 = arith.index_cast %get3A_1211 : i32 to index
      %get3A_1213 = arith.constant 0 : index
      %get3A_1214 = tpu.vector_load %arg11[%get3A_1212, %get3A_1213] {strides = array<i32>} : memref<64x128xf32, #tpu.memory_space<vmem>>, vector<1x16xf32>,
      %get3A_1215 = vector.shape_cast %get3A_1214 : vector<1x16xf32> to vector<16xf32>
      %swap3A_1216 = arith.constant 6 : i32
      %swap3A_1217 = arith.index_cast %swap3A_1216 : i32 to index
      %swap3A_1218 = arith.constant 96 : index
      %swap3A_1219 = tpu.vector_load %arg13[%swap3A_1217, %swap3A_1218] {strides = array<i32>} : memref<8x128xf32, #tpu.memory_space<vmem>>, vector<1x16xf32>,
      %swap3A_1220 = vector.shape_cast %swap3A_1219 : vector<1x16xf32> to vector<16xf32>
      %swap3A_1221 = vector.shape_cast %get3A_1215 : vector<16xf32> to vector<1x16xf32>
      tpu.vector_store %arg13[%swap3A_1217, %swap3A_1218], %swap3A_1221 {strides = array<i32>} : memref<8x128xf32, #tpu.memory_space<vmem>>, vector<1x16xf32>,
      %get3A_1222 = arith.constant 55 : i32
      %get3A_1223 = arith.index_cast %get3A_1222 : i32 to index
      %get3A_1224 = arith.constant 0 : index
      %get3A_1225 = tpu.vector_load %arg10[%get3A_1223, %get3A_1224] {strides = array<i32>} : memref<64x128xf32, #tpu.memory_space<vmem>>, vector<1x16xf32>,
      %get3A_1226 = vector.shape_cast %get3A_1225 : vector<1x16xf32> to vector<16xf32>
      %swap3A_1227 = arith.constant 6 : i32
      %swap3A_1228 = arith.index_cast %swap3A_1227 : i32 to index
      %swap3A_1229 = arith.constant 112 : index
      %swap3A_1230 = tpu.vector_load %arg12[%swap3A_1228, %swap3A_1229] {strides = array<i32>} : memref<8x128xf32, #tpu.memory_space<vmem>>, vector<1x16xf32>,
      %swap3A_1231 = vector.shape_cast %swap3A_1230 : vector<1x16xf32> to vector<16xf32>
      %swap3A_1232 = vector.shape_cast %get3A_1226 : vector<16xf32> to vector<1x16xf32>
      tpu.vector_store %arg12[%swap3A_1228, %swap3A_1229], %swap3A_1232 {strides = array<i32>} : memref<8x128xf32, #tpu.memory_space<vmem>>, vector<1x16xf32>,
      %get3A_1233 = arith.constant 55 : i32
      %get3A_1234 = arith.index_cast %get3A_1233 : i32 to index
      %get3A_1235 = arith.constant 0 : index
      %get3A_1236 = tpu.vector_load %arg11[%get3A_1234, %get3A_1235] {strides = array<i32>} : memref<64x128xf32, #tpu.memory_space<vmem>>, vector<1x16xf32>,
      %get3A_1237 = vector.shape_cast %get3A_1236 : vector<1x16xf32> to vector<16xf32>
      %swap3A_1238 = arith.constant 6 : i32
      %swap3A_1239 = arith.index_cast %swap3A_1238 : i32 to index
      %swap3A_1240 = arith.constant 112 : index
      %swap3A_1241 = tpu.vector_load %arg13[%swap3A_1239, %swap3A_1240] {strides = array<i32>} : memref<8x128xf32, #tpu.memory_space<vmem>>, vector<1x16xf32>,
      %swap3A_1242 = vector.shape_cast %swap3A_1241 : vector<1x16xf32> to vector<16xf32>
      %swap3A_1243 = vector.shape_cast %get3A_1237 : vector<16xf32> to vector<1x16xf32>
      tpu.vector_store %arg13[%swap3A_1239, %swap3A_1240], %swap3A_1243 {strides = array<i32>} : memref<8x128xf32, #tpu.memory_space<vmem>>, vector<1x16xf32>,
      %get3A_1244 = arith.constant 56 : i32
      %get3A_1245 = arith.index_cast %get3A_1244 : i32 to index
      %get3A_1246 = arith.constant 0 : index
      %get3A_1247 = tpu.vector_load %arg10[%get3A_1245, %get3A_1246] {strides = array<i32>} : memref<64x128xf32, #tpu.memory_space<vmem>>, vector<1x16xf32>,
      %get3A_1248 = vector.shape_cast %get3A_1247 : vector<1x16xf32> to vector<16xf32>
      %swap3A_1249 = arith.constant 7 : i32
      %swap3A_1250 = arith.index_cast %swap3A_1249 : i32 to index
      %swap3A_1251 = arith.constant 0 : index
      %swap3A_1252 = tpu.vector_load %arg12[%swap3A_1250, %swap3A_1251] {strides = array<i32>} : memref<8x128xf32, #tpu.memory_space<vmem>>, vector<1x16xf32>,
      %swap3A_1253 = vector.shape_cast %swap3A_1252 : vector<1x16xf32> to vector<16xf32>
      %swap3A_1254 = vector.shape_cast %get3A_1248 : vector<16xf32> to vector<1x16xf32>
      tpu.vector_store %arg12[%swap3A_1250, %swap3A_1251], %swap3A_1254 {strides = array<i32>} : memref<8x128xf32, #tpu.memory_space<vmem>>, vector<1x16xf32>,
      %get3A_1255 = arith.constant 56 : i32
      %get3A_1256 = arith.index_cast %get3A_1255 : i32 to index
      %get3A_1257 = arith.constant 0 : index
      %get3A_1258 = tpu.vector_load %arg11[%get3A_1256, %get3A_1257] {strides = array<i32>} : memref<64x128xf32, #tpu.memory_space<vmem>>, vector<1x16xf32>,
      %get3A_1259 = vector.shape_cast %get3A_1258 : vector<1x16xf32> to vector<16xf32>
      %swap3A_1260 = arith.constant 7 : i32
      %swap3A_1261 = arith.index_cast %swap3A_1260 : i32 to index
      %swap3A_1262 = arith.constant 0 : index
      %swap3A_1263 = tpu.vector_load %arg13[%swap3A_1261, %swap3A_1262] {strides = array<i32>} : memref<8x128xf32, #tpu.memory_space<vmem>>, vector<1x16xf32>,
      %swap3A_1264 = vector.shape_cast %swap3A_1263 : vector<1x16xf32> to vector<16xf32>
      %swap3A_1265 = vector.shape_cast %get3A_1259 : vector<16xf32> to vector<1x16xf32>
      tpu.vector_store %arg13[%swap3A_1261, %swap3A_1262], %swap3A_1265 {strides = array<i32>} : memref<8x128xf32, #tpu.memory_space<vmem>>, vector<1x16xf32>,
      %get3A_1266 = arith.constant 57 : i32
      %get3A_1267 = arith.index_cast %get3A_1266 : i32 to index
      %get3A_1268 = arith.constant 0 : index
      %get3A_1269 = tpu.vector_load %arg10[%get3A_1267, %get3A_1268] {strides = array<i32>} : memref<64x128xf32, #tpu.memory_space<vmem>>, vector<1x16xf32>,
      %get3A_1270 = vector.shape_cast %get3A_1269 : vector<1x16xf32> to vector<16xf32>
      %swap3A_1271 = arith.constant 7 : i32
      %swap3A_1272 = arith.index_cast %swap3A_1271 : i32 to index
      %swap3A_1273 = arith.constant 16 : index
      %swap3A_1274 = tpu.vector_load %arg12[%swap3A_1272, %swap3A_1273] {strides = array<i32>} : memref<8x128xf32, #tpu.memory_space<vmem>>, vector<1x16xf32>,
      %swap3A_1275 = vector.shape_cast %swap3A_1274 : vector<1x16xf32> to vector<16xf32>
      %swap3A_1276 = vector.shape_cast %get3A_1270 : vector<16xf32> to vector<1x16xf32>
      tpu.vector_store %arg12[%swap3A_1272, %swap3A_1273], %swap3A_1276 {strides = array<i32>} : memref<8x128xf32, #tpu.memory_space<vmem>>, vector<1x16xf32>,
      %get3A_1277 = arith.constant 57 : i32
      %get3A_1278 = arith.index_cast %get3A_1277 : i32 to index
      %get3A_1279 = arith.constant 0 : index
      %get3A_1280 = tpu.vector_load %arg11[%get3A_1278, %get3A_1279] {strides = array<i32>} : memref<64x128xf32, #tpu.memory_space<vmem>>, vector<1x16xf32>,
      %get3A_1281 = vector.shape_cast %get3A_1280 : vector<1x16xf32> to vector<16xf32>
      %swap3A_1282 = arith.constant 7 : i32
      %swap3A_1283 = arith.index_cast %swap3A_1282 : i32 to index
      %swap3A_1284 = arith.constant 16 : index
      %swap3A_1285 = tpu.vector_load %arg13[%swap3A_1283, %swap3A_1284] {strides = array<i32>} : memref<8x128xf32, #tpu.memory_space<vmem>>, vector<1x16xf32>,
      %swap3A_1286 = vector.shape_cast %swap3A_1285 : vector<1x16xf32> to vector<16xf32>
      %swap3A_1287 = vector.shape_cast %get3A_1281 : vector<16xf32> to vector<1x16xf32>
      tpu.vector_store %arg13[%swap3A_1283, %swap3A_1284], %swap3A_1287 {strides = array<i32>} : memref<8x128xf32, #tpu.memory_space<vmem>>, vector<1x16xf32>,
      %get3A_1288 = arith.constant 58 : i32
      %get3A_1289 = arith.index_cast %get3A_1288 : i32 to index
      %get3A_1290 = arith.constant 0 : index
      %get3A_1291 = tpu.vector_load %arg10[%get3A_1289, %get3A_1290] {strides = array<i32>} : memref<64x128xf32, #tpu.memory_space<vmem>>, vector<1x16xf32>,
      %get3A_1292 = vector.shape_cast %get3A_1291 : vector<1x16xf32> to vector<16xf32>
      %swap3A_1293 = arith.constant 7 : i32
      %swap3A_1294 = arith.index_cast %swap3A_1293 : i32 to index
      %swap3A_1295 = arith.constant 32 : index
      %swap3A_1296 = tpu.vector_load %arg12[%swap3A_1294, %swap3A_1295] {strides = array<i32>} : memref<8x128xf32, #tpu.memory_space<vmem>>, vector<1x16xf32>,
      %swap3A_1297 = vector.shape_cast %swap3A_1296 : vector<1x16xf32> to vector<16xf32>
      %swap3A_1298 = vector.shape_cast %get3A_1292 : vector<16xf32> to vector<1x16xf32>
      tpu.vector_store %arg12[%swap3A_1294, %swap3A_1295], %swap3A_1298 {strides = array<i32>} : memref<8x128xf32, #tpu.memory_space<vmem>>, vector<1x16xf32>,
      %get3A_1299 = arith.constant 58 : i32
      %get3A_1300 = arith.index_cast %get3A_1299 : i32 to index
      %get3A_1301 = arith.constant 0 : index
      %get3A_1302 = tpu.vector_load %arg11[%get3A_1300, %get3A_1301] {strides = array<i32>} : memref<64x128xf32, #tpu.memory_space<vmem>>, vector<1x16xf32>,
      %get3A_1303 = vector.shape_cast %get3A_1302 : vector<1x16xf32> to vector<16xf32>
      %swap3A_1304 = arith.constant 7 : i32
      %swap3A_1305 = arith.index_cast %swap3A_1304 : i32 to index
      %swap3A_1306 = arith.constant 32 : index
      %swap3A_1307 = tpu.vector_load %arg13[%swap3A_1305, %swap3A_1306] {strides = array<i32>} : memref<8x128xf32, #tpu.memory_space<vmem>>, vector<1x16xf32>,
      %swap3A_1308 = vector.shape_cast %swap3A_1307 : vector<1x16xf32> to vector<16xf32>
      %swap3A_1309 = vector.shape_cast %get3A_1303 : vector<16xf32> to vector<1x16xf32>
      tpu.vector_store %arg13[%swap3A_1305, %swap3A_1306], %swap3A_1309 {strides = array<i32>} : memref<8x128xf32, #tpu.memory_space<vmem>>, vector<1x16xf32>,
      %get3A_1310 = arith.constant 59 : i32
      %get3A_1311 = arith.index_cast %get3A_1310 : i32 to index
      %get3A_1312 = arith.constant 0 : index
      %get3A_1313 = tpu.vector_load %arg10[%get3A_1311, %get3A_1312] {strides = array<i32>} : memref<64x128xf32, #tpu.memory_space<vmem>>, vector<1x16xf32>,
      %get3A_1314 = vector.shape_cast %get3A_1313 : vector<1x16xf32> to vector<16xf32>
      %swap3A_1315 = arith.constant 7 : i32
      %swap3A_1316 = arith.index_cast %swap3A_1315 : i32 to index
      %swap3A_1317 = arith.constant 48 : index
      %swap3A_1318 = tpu.vector_load %arg12[%swap3A_1316, %swap3A_1317] {strides = array<i32>} : memref<8x128xf32, #tpu.memory_space<vmem>>, vector<1x16xf32>,
      %swap3A_1319 = vector.shape_cast %swap3A_1318 : vector<1x16xf32> to vector<16xf32>
      %swap3A_1320 = vector.shape_cast %get3A_1314 : vector<16xf32> to vector<1x16xf32>
      tpu.vector_store %arg12[%swap3A_1316, %swap3A_1317], %swap3A_1320 {strides = array<i32>} : memref<8x128xf32, #tpu.memory_space<vmem>>, vector<1x16xf32>,
      %get3A_1321 = arith.constant 59 : i32
      %get3A_1322 = arith.index_cast %get3A_1321 : i32 to index
      %get3A_1323 = arith.constant 0 : index
      %get3A_1324 = tpu.vector_load %arg11[%get3A_1322, %get3A_1323] {strides = array<i32>} : memref<64x128xf32, #tpu.memory_space<vmem>>, vector<1x16xf32>,
      %get3A_1325 = vector.shape_cast %get3A_1324 : vector<1x16xf32> to vector<16xf32>
      %swap3A_1326 = arith.constant 7 : i32
      %swap3A_1327 = arith.index_cast %swap3A_1326 : i32 to index
      %swap3A_1328 = arith.constant 48 : index
      %swap3A_1329 = tpu.vector_load %arg13[%swap3A_1327, %swap3A_1328] {strides = array<i32>} : memref<8x128xf32, #tpu.memory_space<vmem>>, vector<1x16xf32>,
      %swap3A_1330 = vector.shape_cast %swap3A_1329 : vector<1x16xf32> to vector<16xf32>
      %swap3A_1331 = vector.shape_cast %get3A_1325 : vector<16xf32> to vector<1x16xf32>
      tpu.vector_store %arg13[%swap3A_1327, %swap3A_1328], %swap3A_1331 {strides = array<i32>} : memref<8x128xf32, #tpu.memory_space<vmem>>, vector<1x16xf32>,
      %get3A_1332 = arith.constant 60 : i32
      %get3A_1333 = arith.index_cast %get3A_1332 : i32 to index
      %get3A_1334 = arith.constant 0 : index
      %get3A_1335 = tpu.vector_load %arg10[%get3A_1333, %get3A_1334] {strides = array<i32>} : memref<64x128xf32, #tpu.memory_space<vmem>>, vector<1x16xf32>,
      %get3A_1336 = vector.shape_cast %get3A_1335 : vector<1x16xf32> to vector<16xf32>
      %swap3A_1337 = arith.constant 7 : i32
      %swap3A_1338 = arith.index_cast %swap3A_1337 : i32 to index
      %swap3A_1339 = arith.constant 64 : index
      %swap3A_1340 = tpu.vector_load %arg12[%swap3A_1338, %swap3A_1339] {strides = array<i32>} : memref<8x128xf32, #tpu.memory_space<vmem>>, vector<1x16xf32>,
      %swap3A_1341 = vector.shape_cast %swap3A_1340 : vector<1x16xf32> to vector<16xf32>
      %swap3A_1342 = vector.shape_cast %get3A_1336 : vector<16xf32> to vector<1x16xf32>
      tpu.vector_store %arg12[%swap3A_1338, %swap3A_1339], %swap3A_1342 {strides = array<i32>} : memref<8x128xf32, #tpu.memory_space<vmem>>, vector<1x16xf32>,
      %get3A_1343 = arith.constant 60 : i32
      %get3A_1344 = arith.index_cast %get3A_1343 : i32 to index
      %get3A_1345 = arith.constant 0 : index
      %get3A_1346 = tpu.vector_load %arg11[%get3A_1344, %get3A_1345] {strides = array<i32>} : memref<64x128xf32, #tpu.memory_space<vmem>>, vector<1x16xf32>,
      %get3A_1347 = vector.shape_cast %get3A_1346 : vector<1x16xf32> to vector<16xf32>
      %swap3A_1348 = arith.constant 7 : i32
      %swap3A_1349 = arith.index_cast %swap3A_1348 : i32 to index
      %swap3A_1350 = arith.constant 64 : index
      %swap3A_1351 = tpu.vector_load %arg13[%swap3A_1349, %swap3A_1350] {strides = array<i32>} : memref<8x128xf32, #tpu.memory_space<vmem>>, vector<1x16xf32>,
      %swap3A_1352 = vector.shape_cast %swap3A_1351 : vector<1x16xf32> to vector<16xf32>
      %swap3A_1353 = vector.shape_cast %get3A_1347 : vector<16xf32> to vector<1x16xf32>
      tpu.vector_store %arg13[%swap3A_1349, %swap3A_1350], %swap3A_1353 {strides = array<i32>} : memref<8x128xf32, #tpu.memory_space<vmem>>, vector<1x16xf32>,
      %get3A_1354 = arith.constant 61 : i32
      %get3A_1355 = arith.index_cast %get3A_1354 : i32 to index
      %get3A_1356 = arith.constant 0 : index
      %get3A_1357 = tpu.vector_load %arg10[%get3A_1355, %get3A_1356] {strides = array<i32>} : memref<64x128xf32, #tpu.memory_space<vmem>>, vector<1x16xf32>,
      %get3A_1358 = vector.shape_cast %get3A_1357 : vector<1x16xf32> to vector<16xf32>
      %swap3A_1359 = arith.constant 7 : i32
      %swap3A_1360 = arith.index_cast %swap3A_1359 : i32 to index
      %swap3A_1361 = arith.constant 80 : index
      %swap3A_1362 = tpu.vector_load %arg12[%swap3A_1360, %swap3A_1361] {strides = array<i32>} : memref<8x128xf32, #tpu.memory_space<vmem>>, vector<1x16xf32>,
      %swap3A_1363 = vector.shape_cast %swap3A_1362 : vector<1x16xf32> to vector<16xf32>
      %swap3A_1364 = vector.shape_cast %get3A_1358 : vector<16xf32> to vector<1x16xf32>
      tpu.vector_store %arg12[%swap3A_1360, %swap3A_1361], %swap3A_1364 {strides = array<i32>} : memref<8x128xf32, #tpu.memory_space<vmem>>, vector<1x16xf32>,
      %get3A_1365 = arith.constant 61 : i32
      %get3A_1366 = arith.index_cast %get3A_1365 : i32 to index
      %get3A_1367 = arith.constant 0 : index
      %get3A_1368 = tpu.vector_load %arg11[%get3A_1366, %get3A_1367] {strides = array<i32>} : memref<64x128xf32, #tpu.memory_space<vmem>>, vector<1x16xf32>,
      %get3A_1369 = vector.shape_cast %get3A_1368 : vector<1x16xf32> to vector<16xf32>
      %swap3A_1370 = arith.constant 7 : i32
      %swap3A_1371 = arith.index_cast %swap3A_1370 : i32 to index
      %swap3A_1372 = arith.constant 80 : index
      %swap3A_1373 = tpu.vector_load %arg13[%swap3A_1371, %swap3A_1372] {strides = array<i32>} : memref<8x128xf32, #tpu.memory_space<vmem>>, vector<1x16xf32>,
      %swap3A_1374 = vector.shape_cast %swap3A_1373 : vector<1x16xf32> to vector<16xf32>
      %swap3A_1375 = vector.shape_cast %get3A_1369 : vector<16xf32> to vector<1x16xf32>
      tpu.vector_store %arg13[%swap3A_1371, %swap3A_1372], %swap3A_1375 {strides = array<i32>} : memref<8x128xf32, #tpu.memory_space<vmem>>, vector<1x16xf32>,
      %get3A_1376 = arith.constant 62 : i32
      %get3A_1377 = arith.index_cast %get3A_1376 : i32 to index
      %get3A_1378 = arith.constant 0 : index
      %get3A_1379 = tpu.vector_load %arg10[%get3A_1377, %get3A_1378] {strides = array<i32>} : memref<64x128xf32, #tpu.memory_space<vmem>>, vector<1x16xf32>,
      %get3A_1380 = vector.shape_cast %get3A_1379 : vector<1x16xf32> to vector<16xf32>
      %swap3A_1381 = arith.constant 7 : i32
      %swap3A_1382 = arith.index_cast %swap3A_1381 : i32 to index
      %swap3A_1383 = arith.constant 96 : index
      %swap3A_1384 = tpu.vector_load %arg12[%swap3A_1382, %swap3A_1383] {strides = array<i32>} : memref<8x128xf32, #tpu.memory_space<vmem>>, vector<1x16xf32>,
      %swap3A_1385 = vector.shape_cast %swap3A_1384 : vector<1x16xf32> to vector<16xf32>
      %swap3A_1386 = vector.shape_cast %get3A_1380 : vector<16xf32> to vector<1x16xf32>
      tpu.vector_store %arg12[%swap3A_1382, %swap3A_1383], %swap3A_1386 {strides = array<i32>} : memref<8x128xf32, #tpu.memory_space<vmem>>, vector<1x16xf32>,
      %get3A_1387 = arith.constant 62 : i32
      %get3A_1388 = arith.index_cast %get3A_1387 : i32 to index
      %get3A_1389 = arith.constant 0 : index
      %get3A_1390 = tpu.vector_load %arg11[%get3A_1388, %get3A_1389] {strides = array<i32>} : memref<64x128xf32, #tpu.memory_space<vmem>>, vector<1x16xf32>,
      %get3A_1391 = vector.shape_cast %get3A_1390 : vector<1x16xf32> to vector<16xf32>
      %swap3A_1392 = arith.constant 7 : i32
      %swap3A_1393 = arith.index_cast %swap3A_1392 : i32 to index
      %swap3A_1394 = arith.constant 96 : index
      %swap3A_1395 = tpu.vector_load %arg13[%swap3A_1393, %swap3A_1394] {strides = array<i32>} : memref<8x128xf32, #tpu.memory_space<vmem>>, vector<1x16xf32>,
      %swap3A_1396 = vector.shape_cast %swap3A_1395 : vector<1x16xf32> to vector<16xf32>
      %swap3A_1397 = vector.shape_cast %get3A_1391 : vector<16xf32> to vector<1x16xf32>
      tpu.vector_store %arg13[%swap3A_1393, %swap3A_1394], %swap3A_1397 {strides = array<i32>} : memref<8x128xf32, #tpu.memory_space<vmem>>, vector<1x16xf32>,
      %get3A_1398 = arith.constant 63 : i32
      %get3A_1399 = arith.index_cast %get3A_1398 : i32 to index
      %get3A_1400 = arith.constant 0 : index
      %get3A_1401 = tpu.vector_load %arg10[%get3A_1399, %get3A_1400] {strides = array<i32>} : memref<64x128xf32, #tpu.memory_space<vmem>>, vector<1x16xf32>,
      %get3A_1402 = vector.shape_cast %get3A_1401 : vector<1x16xf32> to vector<16xf32>
      %swap3A_1403 = arith.constant 7 : i32
      %swap3A_1404 = arith.index_cast %swap3A_1403 : i32 to index
      %swap3A_1405 = arith.constant 112 : index
      %swap3A_1406 = tpu.vector_load %arg12[%swap3A_1404, %swap3A_1405] {strides = array<i32>} : memref<8x128xf32, #tpu.memory_space<vmem>>, vector<1x16xf32>,
      %swap3A_1407 = vector.shape_cast %swap3A_1406 : vector<1x16xf32> to vector<16xf32>
      %swap3A_1408 = vector.shape_cast %get3A_1402 : vector<16xf32> to vector<1x16xf32>
      tpu.vector_store %arg12[%swap3A_1404, %swap3A_1405], %swap3A_1408 {strides = array<i32>} : memref<8x128xf32, #tpu.memory_space<vmem>>, vector<1x16xf32>,
      %get3A_1409 = arith.constant 63 : i32
      %get3A_1410 = arith.index_cast %get3A_1409 : i32 to index
      %get3A_1411 = arith.constant 0 : index
      %get3A_1412 = tpu.vector_load %arg11[%get3A_1410, %get3A_1411] {strides = array<i32>} : memref<64x128xf32, #tpu.memory_space<vmem>>, vector<1x16xf32>,
      %get3A_1413 = vector.shape_cast %get3A_1412 : vector<1x16xf32> to vector<16xf32>
      %swap3A_1414 = arith.constant 7 : i32
      %swap3A_1415 = arith.index_cast %swap3A_1414 : i32 to index
      %swap3A_1416 = arith.constant 112 : index
      %swap3A_1417 = tpu.vector_load %arg13[%swap3A_1415, %swap3A_1416] {strides = array<i32>} : memref<8x128xf32, #tpu.memory_space<vmem>>, vector<1x16xf32>,
      %swap3A_1418 = vector.shape_cast %swap3A_1417 : vector<1x16xf32> to vector<16xf32>
      %swap3A_1419 = vector.shape_cast %get3A_1413 : vector<16xf32> to vector<1x16xf32>
      tpu.vector_store %arg13[%swap3A_1415, %swap3A_1416], %swap3A_1419 {strides = array<i32>} : memref<8x128xf32, #tpu.memory_space<vmem>>, vector<1x16xf32>,
      %mul3A_1420 = arith.constant 16 : i32
      %mul3A_1421 = arith.muli %multiple_of3A, %mul3A_1420 : i32
      %jit3A = arith.constant 128 : i32
      %div3A = arith.divsi %mul3A_1421, %jit3A : i32
      %sign3A = arith.constant 0 : i32
      %sign3A_1422 = arith.cmpi sgt, %mul3A_1421, %sign3A : i32
      %sign3A_1423 = arith.extui %sign3A_1422 : i1 to i32
      %sign3A_1424 = arith.constant 0 : i32
      %sign3A_1425 = arith.cmpi slt, %mul3A_1421, %sign3A_1424 : i32
      %sign3A_1426 = arith.extui %sign3A_1425 : i1 to i32
      %sign3A_1427 = arith.subi %sign3A_1423, %sign3A_1426 : i32
      %sign3A_1428 = arith.constant 0 : i32
      %sign3A_1429 = arith.cmpi sgt, %jit3A, %sign3A_1428 : i32
      %sign3A_1430 = arith.extui %sign3A_1429 : i1 to i32
      %sign3A_1431 = arith.constant 0 : i32
      %sign3A_1432 = arith.cmpi slt, %jit3A, %sign3A_1431 : i32
      %sign3A_1433 = arith.extui %sign3A_1432 : i1 to i32
      %sign3A_1434 = arith.subi %sign3A_1430, %sign3A_1433 : i32
      %ne3A = arith.cmpi ne, %sign3A_1427, %sign3A_1434 : i32
      %rem3A = arith.remsi %mul3A_1421, %jit3A : i32
      %ne3A_1435 = arith.constant 0 : i32
      %ne3A_1436 = arith.cmpi ne, %rem3A, %ne3A_1435 : i32
      %and3A = arith.andi %ne3A, %ne3A_1436 : i1
      %sub3A = arith.constant 1 : i32
      %sub3A_1437 = arith.subi %div3A, %sub3A : i32
      %select_n3A = arith.select %and3A, %sub3A_1437, %div3A : i32
      %multiple_of3A_1438 = tpu.assume_multiple %select_n3A, 8 : i32
      "tpu.region"() ({
        %run_scoped3A = tpu.sem_alloc : memref<!tpu.dma_semaphore, #tpu.memory_space<semaphore_mem>>
        %dma_start3A = arith.constant 0 : i32
        %dma_start3A_1439 = tpu.memref_slice %arg5[%multiple_of3A_1438, %dma_start3A] : memref<20480x128xf32, #tpu.memory_space<hbm>> -> memref<8x128xf32, #tpu.memory_space<hbm>>
        %dma_start3A_1440 = arith.constant 0 : i32
        %dma_start3A_1441 = tpu.memref_slice %arg5[%multiple_of3A_1438, %dma_start3A_1440] : memref<20480x128xf32, #tpu.memory_space<hbm>> -> memref<8x128xf32, #tpu.memory_space<hbm>>
        tpu.enqueue_dma source(%arg12 : memref<8x128xf32, #tpu.memory_space<vmem>>) target(%dma_start3A_1441 : memref<8x128xf32, #tpu.memory_space<hbm>>) target_semaphore(%run_scoped3A : memref<!tpu.dma_semaphore, #tpu.memory_space<semaphore_mem>>)
        %dma_wait3A = arith.constant 0 : i32
        %dma_wait3A_1442 = tpu.memref_slice %arg5[%multiple_of3A_1438, %dma_wait3A] : memref<20480x128xf32, #tpu.memory_space<hbm>> -> memref<8x128xf32, #tpu.memory_space<hbm>>
        %dma_wait3A_1443 = arith.constant 0 : i32
        %dma_wait3A_1444 = tpu.memref_slice %arg5[%multiple_of3A_1438, %dma_wait3A_1443] : memref<20480x128xf32, #tpu.memory_space<hbm>> -> memref<8x128xf32, #tpu.memory_space<hbm>>
        tpu.wait_dma2 semaphore(%run_scoped3A : memref<!tpu.dma_semaphore, #tpu.memory_space<semaphore_mem>>) src(%arg12 : memref<8x128xf32, #tpu.memory_space<vmem>>) dst(%dma_wait3A_1444 : memref<8x128xf32, #tpu.memory_space<hbm>>)
        tpu.yield
      }) : () -> ()
      "tpu.region"() ({
        %run_scoped3A = tpu.sem_alloc : memref<!tpu.dma_semaphore, #tpu.memory_space<semaphore_mem>>
        %dma_start3A = arith.constant 0 : i32
        %dma_start3A_1439 = tpu.memref_slice %arg6[%multiple_of3A_1438, %dma_start3A] : memref<20480x128xf32, #tpu.memory_space<hbm>> -> memref<8x128xf32, #tpu.memory_space<hbm>>
        %dma_start3A_1440 = arith.constant 0 : i32
        %dma_start3A_1441 = tpu.memref_slice %arg6[%multiple_of3A_1438, %dma_start3A_1440] : memref<20480x128xf32, #tpu.memory_space<hbm>> -> memref<8x128xf32, #tpu.memory_space<hbm>>
        tpu.enqueue_dma source(%arg13 : memref<8x128xf32, #tpu.memory_space<vmem>>) target(%dma_start3A_1441 : memref<8x128xf32, #tpu.memory_space<hbm>>) target_semaphore(%run_scoped3A : memref<!tpu.dma_semaphore, #tpu.memory_space<semaphore_mem>>)
        %dma_wait3A = arith.constant 0 : i32
        %dma_wait3A_1442 = tpu.memref_slice %arg6[%multiple_of3A_1438, %dma_wait3A] : memref<20480x128xf32, #tpu.memory_space<hbm>> -> memref<8x128xf32, #tpu.memory_space<hbm>>
        %dma_wait3A_1443 = arith.constant 0 : i32
        %dma_wait3A_1444 = tpu.memref_slice %arg6[%multiple_of3A_1438, %dma_wait3A_1443] : memref<20480x128xf32, #tpu.memory_space<hbm>> -> memref<8x128xf32, #tpu.memory_space<hbm>>
        tpu.wait_dma2 semaphore(%run_scoped3A : memref<!tpu.dma_semaphore, #tpu.memory_space<semaphore_mem>>) src(%arg13 : memref<8x128xf32, #tpu.memory_space<vmem>>) dst(%dma_wait3A_1444 : memref<8x128xf32, #tpu.memory_space<hbm>>)
        tpu.yield
      }) : () -> ()
    }
    %scan3A_9 = arith.constant 80 : i32
    return
  }
}

module attributes {stable_mosaic.version = 14 : i64} {
  func.func @_node_kernel(%arg0: i32, %arg1: memref<1024x128xf32, #tpu.memory_space<vmem>>, %arg2: memref<1024x1xf32, #tpu.memory_space<vmem>>, %arg3: memref<1x1x1024xi32, #tpu.memory_space<vmem>>, %arg4: memref<128x128xbf16, #tpu.memory_space<vmem>>, %arg5: memref<1x256xf32, #tpu.memory_space<vmem>>, %arg6: memref<1024x128xf32, #tpu.memory_space<vmem>>, %arg7: memref<64x256xf32, #tpu.memory_space<vmem>>, %arg8: memref<64x256xf32, #tpu.memory_space<vmem>>) attributes {dimension_semantics = [#tpu.dimension_semantics<arbitrary>], iteration_bounds = array<i64: 10>, scalar_prefetch = 0 : i64, scratch_operands = 1 : i64, tpu.core_type = #tpu.core_type<tc>, window_params = [{transform_indices = @transform_0, window_bounds = array<i64: 1024, 128>}, {transform_indices = @transform_1, window_bounds = array<i64: 1024, 1>}, {transform_indices = @transform_2, window_bounds = array<i64: 1, 1, 1024>}, {pipeline_mode = #tpu.pipeline_mode<synchronous>, transform_indices = @transform_3, window_bounds = array<i64: 128, 128>}, {pipeline_mode = #tpu.pipeline_mode<synchronous>, transform_indices = @transform_4, window_bounds = array<i64: 1, 256>}, {transform_indices = @transform_5, window_bounds = array<i64: 1024, 128>}, {pipeline_mode = #tpu.pipeline_mode<synchronous>, transform_indices = @transform_6, window_bounds = array<i64: 64, 256>}]} {
    %eq3A = arith.constant 0 : i32
    %eq3A_0 = arith.cmpi eq, %arg0, %eq3A : i32
    %convert_element_type3A = arith.extui %eq3A_0 : i1 to i32
    %cond3A = arith.constant 0 : i32
    %cond3A_1 = arith.cmpi ne, %convert_element_type3A, %cond3A : i32
    scf.if %cond3A_1 {
      %broadcast_in_dim3A = arith.constant 0.000000e+00 : f32
      %broadcast_in_dim3A_53 = vector.broadcast %broadcast_in_dim3A : f32 to vector<64x256xf32>
      %swap3A_54 = arith.constant 0 : index
      %swap3A_55 = arith.constant 0 : index
      %swap3A_56 = vector.load %arg8[%swap3A_54, %swap3A_55] : memref<64x256xf32, #tpu.memory_space<vmem>>, vector<64x256xf32>
      tpu.vector_store %arg8[%swap3A_54, %swap3A_55], %broadcast_in_dim3A_53 {strides = array<i32>} : memref<64x256xf32, #tpu.memory_space<vmem>>, vector<64x256xf32>,
    } else {
    }
    %get3A = arith.constant 0 : index
    %get3A_2 = arith.constant 0 : index
    %get3A_3 = vector.load %arg1[%get3A, %get3A_2] : memref<1024x128xf32, #tpu.memory_space<vmem>>, vector<1024x128xf32>
    %get3A_4 = arith.constant 0 : index
    %get3A_5 = arith.constant 0 : index
    %get3A_6 = vector.load %arg2[%get3A_4, %get3A_5] : memref<1024x1xf32, #tpu.memory_space<vmem>>, vector<1024x1xf32>
    %mul3A = vector.broadcast %get3A_6 : vector<1024x1xf32> to vector<1024x128xf32>
    %mul3A_7 = arith.mulf %get3A_3, %mul3A : vector<1024x128xf32>
    %convert_element_type3A_8 = arith.truncf %mul3A_7 : vector<1024x128xf32> to vector<1024x128xbf16>
    %get3A_9 = arith.constant 0 : index
    %get3A_10 = arith.constant 0 : index
    %get3A_11 = vector.load %arg4[%get3A_9, %get3A_10] : memref<128x128xbf16, #tpu.memory_space<vmem>>, vector<128x128xbf16>
    %dot_general3A = arith.constant dense<0.000000e+00> : vector<1024x128xf32>
    %dot_general3A_12 = tpu.matmul %convert_element_type3A_8, %get3A_11, %dot_general3A {dimension_numbers = #tpu.dot_dimension_numbers<[1], [0], [0], [1], [0, 0, 1, 1], [], []>, transpose_lhs_hint = false} : vector<1024x128xbf16>, vector<128x128xbf16>, vector<1024x128xf32> -> vector<1024x128xf32>
    %swap3A = arith.constant 0 : index
    %swap3A_13 = arith.constant 0 : index
    %swap3A_14 = vector.load %arg6[%swap3A, %swap3A_13] : memref<1024x128xf32, #tpu.memory_space<vmem>>, vector<1024x128xf32>
    tpu.vector_store %arg6[%swap3A, %swap3A_13], %dot_general3A_12 {strides = array<i32>} : memref<1024x128xf32, #tpu.memory_space<vmem>>, vector<1024x128xf32>,
    %get3A_15 = arith.constant 0 : index
    %get3A_16 = arith.constant 0 : index
    %get3A_17 = arith.constant 0 : index
    %get3A_18 = vector.load %arg3[%get3A_15, %get3A_16, %get3A_17] : memref<1x1x1024xi32, #tpu.memory_space<vmem>>, vector<1x1x1024xi32>
    %get3A_19 = vector.shape_cast %get3A_18 : vector<1x1x1024xi32> to vector<1x1024xi32>
    %iota3A = tpu.iota {dimensions = array<i32: 0>} : vector<64x1024xi32>
    %eq3A_20 = vector.broadcast %get3A_19 : vector<1x1024xi32> to vector<64x1024xi32>
    %eq3A_21 = arith.cmpi eq, %eq3A_20, %iota3A : vector<64x1024xi32>
    %convert_element_type3A_22 = arith.extui %eq3A_21 : vector<64x1024xi1> to vector<64x1024xi32>
    %convert_element_type3A_23 = arith.sitofp %convert_element_type3A_22 : vector<64x1024xi32> to vector<64x1024xf32>
    %slice3A = vector.extract_strided_slice %dot_general3A_12 {offsets = [0, 0], sizes = [1024, 16], strides = [1, 1]} : vector<1024x128xf32> to vector<1024x16xf32>
    %tile3A = tpu.concatenate %slice3A, %slice3A, %slice3A, %slice3A, %slice3A, %slice3A, %slice3A, %slice3A, %slice3A, %slice3A, %slice3A, %slice3A, %slice3A, %slice3A, %slice3A, %slice3A in 1 : vector<1024x16xf32>, vector<1024x16xf32>, vector<1024x16xf32>, vector<1024x16xf32>, vector<1024x16xf32>, vector<1024x16xf32>, vector<1024x16xf32>, vector<1024x16xf32>, vector<1024x16xf32>, vector<1024x16xf32>, vector<1024x16xf32>, vector<1024x16xf32>, vector<1024x16xf32>, vector<1024x16xf32>, vector<1024x16xf32>, vector<1024x16xf32> -> vector<1024x256xf32>
    %get3A_24 = arith.constant 0 : index
    %get3A_25 = arith.constant 0 : index
    %get3A_26 = vector.load %arg5[%get3A_24, %get3A_25] : memref<1x256xf32, #tpu.memory_space<vmem>>, vector<1x256xf32>
    %sub3A = vector.broadcast %get3A_26 : vector<1x256xf32> to vector<1024x256xf32>
    %sub3A_27 = arith.subf %sub3A, %tile3A : vector<1024x256xf32>
    %mul3A_28 = arith.constant 1.000000e+02 : f32
    %mul3A_29 = vector.broadcast %mul3A_28 : f32 to vector<1024x256xf32>
    %mul3A_30 = arith.mulf %mul3A_29, %sub3A_27 : vector<1024x256xf32>
    %mul3A_31 = arith.constant 5.000000e-01 : f32
    %mul3A_32 = vector.broadcast %mul3A_31 : f32 to vector<1024x256xf32>
    %mul3A_33 = arith.mulf %mul3A_32, %mul3A_30 : vector<1024x256xf32>
    %tanh3A = math.tanh %mul3A_33 : vector<1024x256xf32>
    %mul3A_34 = arith.constant 5.000000e-01 : f32
    %mul3A_35 = vector.broadcast %mul3A_34 : f32 to vector<1024x256xf32>
    %mul3A_36 = arith.mulf %mul3A_35, %tanh3A : vector<1024x256xf32>
    %add3A = arith.constant 5.000000e-01 : f32
    %add3A_37 = vector.broadcast %add3A : f32 to vector<1024x256xf32>
    %add3A_38 = arith.addf %mul3A_36, %add3A_37 : vector<1024x256xf32>
    %get3A_39 = arith.constant 0 : index
    %get3A_40 = arith.constant 0 : index
    %get3A_41 = vector.load %arg8[%get3A_39, %get3A_40] : memref<64x256xf32, #tpu.memory_space<vmem>>, vector<64x256xf32>
    %dot_general3A_42 = arith.constant dense<0.000000e+00> : vector<64x256xf32>
    %dot_general3A_43 = tpu.matmul %convert_element_type3A_23, %add3A_38, %dot_general3A_42 {dimension_numbers = #tpu.dot_dimension_numbers<[1], [0], [0], [1], [0, 0, 1, 1], [], []>, precision = #tpu.contract_precision<fp32>, transpose_lhs_hint = false} : vector<64x1024xf32>, vector<1024x256xf32>, vector<64x256xf32> -> vector<64x256xf32>
    %add3A_44 = arith.addf %get3A_41, %dot_general3A_43 : vector<64x256xf32>
    %swap3A_45 = arith.constant 0 : index
    %swap3A_46 = arith.constant 0 : index
    %swap3A_47 = vector.load %arg8[%swap3A_45, %swap3A_46] : memref<64x256xf32, #tpu.memory_space<vmem>>, vector<64x256xf32>
    tpu.vector_store %arg8[%swap3A_45, %swap3A_46], %add3A_44 {strides = array<i32>} : memref<64x256xf32, #tpu.memory_space<vmem>>, vector<64x256xf32>,
    %eq3A_48 = arith.constant 9 : i32
    %eq3A_49 = arith.cmpi eq, %arg0, %eq3A_48 : i32
    %convert_element_type3A_50 = arith.extui %eq3A_49 : i1 to i32
    %cond3A_51 = arith.constant 0 : i32
    %cond3A_52 = arith.cmpi ne, %convert_element_type3A_50, %cond3A_51 : i32
    scf.if %cond3A_52 {
      %get3A_53 = arith.constant 0 : index
      %get3A_54 = arith.constant 0 : index
      %get3A_55 = vector.load %arg8[%get3A_53, %get3A_54] : memref<64x256xf32, #tpu.memory_space<vmem>>, vector<64x256xf32>
      %swap3A_56 = arith.constant 0 : index
      %swap3A_57 = arith.constant 0 : index
      %swap3A_58 = vector.load %arg7[%swap3A_56, %swap3A_57] : memref<64x256xf32, #tpu.memory_space<vmem>>, vector<64x256xf32>
      tpu.vector_store %arg7[%swap3A_56, %swap3A_57], %get3A_55 {strides = array<i32>} : memref<64x256xf32, #tpu.memory_space<vmem>>, vector<64x256xf32>,
    } else {
    }
    return
  }
  func.func @transform_0(%arg0: i32) -> (i32, i32) {
    %c0_i32 = arith.constant 0 : i32
    %c0_i32_0 = arith.constant 0 : i32
    return %arg0, %c0_i32 : i32, i32
  }
  func.func @transform_1(%arg0: i32) -> (i32, i32) {
    %c0_i32 = arith.constant 0 : i32
    %c0_i32_0 = arith.constant 0 : i32
    return %arg0, %c0_i32 : i32, i32
  }
  func.func @transform_2(%arg0: i32) -> (i32, i32, i32) {
    %c0_i32 = arith.constant 0 : i32
    %c0_i32_0 = arith.constant 0 : i32
    %c0_i32_1 = arith.constant 0 : i32
    return %arg0, %c0_i32, %c0_i32_0 : i32, i32, i32
  }
  func.func @transform_3(%arg0: i32) -> (i32, i32) {
    %c0_i32 = arith.constant 0 : i32
    %c0_i32_0 = arith.constant 0 : i32
    %c0_i32_1 = arith.constant 0 : i32
    return %c0_i32, %c0_i32_0 : i32, i32
  }
  func.func @transform_4(%arg0: i32) -> (i32, i32) {
    %c0_i32 = arith.constant 0 : i32
    %c0_i32_0 = arith.constant 0 : i32
    %c0_i32_1 = arith.constant 0 : i32
    return %c0_i32, %c0_i32_0 : i32, i32
  }
  func.func @transform_5(%arg0: i32) -> (i32, i32) {
    %c0_i32 = arith.constant 0 : i32
    %c0_i32_0 = arith.constant 0 : i32
    return %arg0, %c0_i32 : i32, i32
  }
  func.func @transform_6(%arg0: i32) -> (i32, i32) {
    %c0_i32 = arith.constant 0 : i32
    %c0_i32_0 = arith.constant 0 : i32
    %c0_i32_1 = arith.constant 0 : i32
    return %c0_i32, %c0_i32_0 : i32, i32
  }
}

module attributes {stable_mosaic.version = 14 : i64} {
  func.func @_edge_kernel(%arg0: i32, %arg1: memref<1024x16xf32, #tpu.memory_space<vmem>>, %arg2: memref<1024x16xf32, #tpu.memory_space<vmem>>, %arg3: memref<1x1x1024xi32, #tpu.memory_space<vmem>>, %arg4: memref<1x1024x1xf32, #tpu.memory_space<vmem>>, %arg5: memref<1x10240xi32, #tpu.memory_space<vmem>>, %arg6: memref<1x256xf32, #tpu.memory_space<vmem>>, %arg7: memref<64x256xf32, #tpu.memory_space<vmem>>, %arg8: memref<256x4096xbf16, #tpu.memory_space<vmem>>, %arg9: memref<1x4096xf32, #tpu.memory_space<vmem>>, %arg10: memref<4096x128xbf16, #tpu.memory_space<vmem>>, %arg11: memref<1x128xf32, #tpu.memory_space<vmem>>, %arg12: memref<64x128xf32, #tpu.memory_space<vmem>>, %arg13: memref<64x256xf32, #tpu.memory_space<vmem>>, %arg14: memref<64x256xf32, #tpu.memory_space<vmem>>, %arg15: memref<64x128xf32, #tpu.memory_space<vmem>>, %arg16: memref<64x256xf32, #tpu.memory_space<vmem>>) attributes {dimension_semantics = [#tpu.dimension_semantics<arbitrary>], iteration_bounds = array<i64: 161>, scalar_prefetch = 0 : i64, scratch_operands = 3 : i64, tpu.core_type = #tpu.core_type<tc>, window_params = [{transform_indices = @transform_0, window_bounds = array<i64: 1024, 16>}, {transform_indices = @transform_1, window_bounds = array<i64: 1024, 16>}, {transform_indices = @transform_2, window_bounds = array<i64: 1, 1, 1024>}, {transform_indices = @transform_3, window_bounds = array<i64: 1, 1024, 1>}, {pipeline_mode = #tpu.pipeline_mode<synchronous>, transform_indices = @transform_4, window_bounds = array<i64: 1, 10240>}, {pipeline_mode = #tpu.pipeline_mode<synchronous>, transform_indices = @transform_5, window_bounds = array<i64: 1, 256>}, {pipeline_mode = #tpu.pipeline_mode<synchronous>, transform_indices = @transform_6, window_bounds = array<i64: 64, 256>}, {pipeline_mode = #tpu.pipeline_mode<synchronous>, transform_indices = @transform_7, window_bounds = array<i64: 256, 4096>}, {pipeline_mode = #tpu.pipeline_mode<synchronous>, transform_indices = @transform_8, window_bounds = array<i64: 1, 4096>}, {pipeline_mode = #tpu.pipeline_mode<synchronous>, transform_indices = @transform_9, window_bounds = array<i64: 4096, 128>}, {pipeline_mode = #tpu.pipeline_mode<synchronous>, transform_indices = @transform_10, window_bounds = array<i64: 1, 128>}, {pipeline_mode = #tpu.pipeline_mode<synchronous>, transform_indices = @transform_11, window_bounds = array<i64: 64, 128>}, {pipeline_mode = #tpu.pipeline_mode<synchronous>, transform_indices = @transform_12, window_bounds = array<i64: 64, 256>}]} {
    %eq3A = arith.constant 0 : i32
    %eq3A_0 = arith.cmpi eq, %arg0, %eq3A : i32
    %convert_element_type3A = arith.extui %eq3A_0 : i1 to i32
    %cond3A = arith.constant 0 : i32
    %cond3A_1 = arith.cmpi ne, %convert_element_type3A, %cond3A : i32
    scf.if %cond3A_1 {
      %broadcast_in_dim3A = arith.constant 0.000000e+00 : f32
      %broadcast_in_dim3A_11 = vector.broadcast %broadcast_in_dim3A : f32 to vector<64x256xf32>
      %swap3A = arith.constant 0 : index
      %swap3A_12 = arith.constant 0 : index
      %swap3A_13 = vector.load %arg14[%swap3A, %swap3A_12] : memref<64x256xf32, #tpu.memory_space<vmem>>, vector<64x256xf32>
      tpu.vector_store %arg14[%swap3A, %swap3A_12], %broadcast_in_dim3A_11 {strides = array<i32>} : memref<64x256xf32, #tpu.memory_space<vmem>>, vector<64x256xf32>,
      %broadcast_in_dim3A_14 = arith.constant 0.000000e+00 : f32
      %broadcast_in_dim3A_15 = vector.broadcast %broadcast_in_dim3A_14 : f32 to vector<64x256xf32>
      %swap3A_16 = arith.constant 0 : index
      %swap3A_17 = arith.constant 0 : index
      %swap3A_18 = vector.load %arg16[%swap3A_16, %swap3A_17] : memref<64x256xf32, #tpu.memory_space<vmem>>, vector<64x256xf32>
      tpu.vector_store %arg16[%swap3A_16, %swap3A_17], %broadcast_in_dim3A_15 {strides = array<i32>} : memref<64x256xf32, #tpu.memory_space<vmem>>, vector<64x256xf32>,
      %get3A = arith.constant 0 : index
      %get3A_19 = arith.constant 0 : index
      %get3A_20 = vector.load %arg5[%get3A, %get3A_19] : memref<1x10240xi32, #tpu.memory_space<vmem>>, vector<1x10240xi32>
      %iota3A = tpu.iota {dimensions = array<i32: 0>} : vector<64x10240xi32>
      %lt3A_21 = vector.broadcast %get3A_20 : vector<1x10240xi32> to vector<64x10240xi32>
      %lt3A_22 = arith.cmpi slt, %lt3A_21, %iota3A : vector<64x10240xi32>
      %convert_element_type3A_23 = arith.extui %lt3A_22 : vector<64x10240xi1> to vector<64x10240xi32>
      %convert_element_type3A_24 = arith.sitofp %convert_element_type3A_23 : vector<64x10240xi32> to vector<64x10240xf32>
      %reduce_sum3A = arith.constant dense<0.000000e+00> : vector<64xf32>
      %reduce_sum3A_25 = vector.multi_reduction <add>, %convert_element_type3A_24, %reduce_sum3A [1] : vector<64x10240xf32> to vector<64xf32>
      %broadcast_in_dim3A_26 = vector.shape_cast %reduce_sum3A_25 : vector<64xf32> to vector<64x1xf32>
      %le3A = vector.broadcast %get3A_20 : vector<1x10240xi32> to vector<64x10240xi32>
      %le3A_27 = arith.cmpi sle, %le3A, %iota3A : vector<64x10240xi32>
      %convert_element_type3A_28 = arith.extui %le3A_27 : vector<64x10240xi1> to vector<64x10240xi32>
      %convert_element_type3A_29 = arith.sitofp %convert_element_type3A_28 : vector<64x10240xi32> to vector<64x10240xf32>
      %reduce_sum3A_30 = arith.constant dense<0.000000e+00> : vector<64xf32>
      %reduce_sum3A_31 = vector.multi_reduction <add>, %convert_element_type3A_29, %reduce_sum3A_30 [1] : vector<64x10240xf32> to vector<64xf32>
      %broadcast_in_dim3A_32 = vector.shape_cast %reduce_sum3A_31 : vector<64xf32> to vector<64x1xf32>
      %swap3A_33 = arith.constant 0 : index
      %swap3A_34 = arith.constant 0 : index
      %swap3A_35 = vector.load %arg15[%swap3A_33, %swap3A_34] : memref<64x128xf32, #tpu.memory_space<vmem>>, vector<64x1xf32>
      tpu.vector_store %arg15[%swap3A_33, %swap3A_34], %broadcast_in_dim3A_26 {strides = array<i32>} : memref<64x128xf32, #tpu.memory_space<vmem>>, vector<64x1xf32>,
      %swap3A_36 = arith.constant 0 : index
      %swap3A_37 = arith.constant 1 : index
      %swap3A_38 = vector.load %arg15[%swap3A_36, %swap3A_37] : memref<64x128xf32, #tpu.memory_space<vmem>>, vector<64x1xf32>
      tpu.vector_store %arg15[%swap3A_36, %swap3A_37], %broadcast_in_dim3A_32 {strides = array<i32>} : memref<64x128xf32, #tpu.memory_space<vmem>>, vector<64x1xf32>,
    } else {
    }
    %lt3A = arith.constant 160 : i32
    %lt3A_2 = arith.cmpi slt, %arg0, %lt3A : i32
    %convert_element_type3A_3 = arith.extui %lt3A_2 : i1 to i32
    %cond3A_4 = arith.constant 0 : i32
    %cond3A_5 = arith.cmpi ne, %convert_element_type3A_3, %cond3A_4 : i32
    scf.if %cond3A_5 {
      %get3A = arith.constant 0 : index
      %get3A_11 = arith.constant 0 : index
      %get3A_12 = arith.constant 0 : index
      %get3A_13 = vector.load %arg3[%get3A, %get3A_11, %get3A_12] : memref<1x1x1024xi32, #tpu.memory_space<vmem>>, vector<1x1x1024xi32>
      %get3A_14 = vector.shape_cast %get3A_13 : vector<1x1x1024xi32> to vector<1x1024xi32>
      %convert_element_type3A_15 = arith.sitofp %get3A_14 : vector<1x1024xi32> to vector<1x1024xf32>
      %get3A_16 = arith.constant 0 : index
      %get3A_17 = arith.constant 0 : index
      %get3A_18 = vector.load %arg15[%get3A_16, %get3A_17] : memref<64x128xf32, #tpu.memory_space<vmem>>, vector<64x1xf32>
      %get3A_19 = arith.constant 0 : index
      %get3A_20 = arith.constant 1 : index
      %get3A_21 = vector.load %arg15[%get3A_19, %get3A_20] : memref<64x128xf32, #tpu.memory_space<vmem>>, vector<64x1xf32>
      %iota3A = tpu.iota {dimensions = array<i32: 1>} : vector<1x1024xi32>
      %mul3A = arith.constant 1024 : i32
      %mul3A_22 = arith.muli %arg0, %mul3A : i32
      %add3A = vector.broadcast %mul3A_22 : i32 to vector<1x1024xi32>
      %add3A_23 = arith.addi %add3A, %iota3A : vector<1x1024xi32>
      %lt3A_24 = arith.constant 160000 : i32
      %lt3A_25 = vector.broadcast %lt3A_24 : i32 to vector<1x1024xi32>
      %lt3A_26 = arith.cmpi slt, %add3A_23, %lt3A_25 : vector<1x1024xi32>
      %ge3A = vector.broadcast %convert_element_type3A_15 : vector<1x1024xf32> to vector<64x1024xf32>
      %ge3A_27 = vector.broadcast %get3A_18 : vector<64x1xf32> to vector<64x1024xf32>
      %ge3A_28 = arith.cmpf oge, %ge3A, %ge3A_27 : vector<64x1024xf32>
      %lt3A_29 = vector.broadcast %convert_element_type3A_15 : vector<1x1024xf32> to vector<64x1024xf32>
      %lt3A_30 = vector.broadcast %get3A_21 : vector<64x1xf32> to vector<64x1024xf32>
      %lt3A_31 = arith.cmpf olt, %lt3A_29, %lt3A_30 : vector<64x1024xf32>
      %and3A = arith.andi %ge3A_28, %lt3A_31 : vector<64x1024xi1>
      %and3A_32 = vector.broadcast %lt3A_26 : vector<1x1024xi1> to vector<64x1024xi1>
      %and3A_33 = arith.andi %and3A, %and3A_32 : vector<64x1024xi1>
      %convert_element_type3A_34 = arith.extui %and3A_33 : vector<64x1024xi1> to vector<64x1024xi32>
      %convert_element_type3A_35 = arith.sitofp %convert_element_type3A_34 : vector<64x1024xi32> to vector<64x1024xf32>
      %get3A_36 = arith.constant 0 : index
      %get3A_37 = arith.constant 0 : index
      %get3A_38 = vector.load %arg1[%get3A_36, %get3A_37] : memref<1024x16xf32, #tpu.memory_space<vmem>>, vector<1024x16xf32>
      %get3A_39 = arith.constant 0 : index
      %get3A_40 = arith.constant 0 : index
      %get3A_41 = vector.load %arg2[%get3A_39, %get3A_40] : memref<1024x16xf32, #tpu.memory_space<vmem>>, vector<1024x16xf32>
      %max3A = arith.maximumf %get3A_38, %get3A_41 : vector<1024x16xf32>
      %get3A_42 = arith.constant 0 : index
      %get3A_43 = arith.constant 0 : index
      %get3A_44 = arith.constant 0 : index
      %get3A_45 = vector.load %arg4[%get3A_42, %get3A_43, %get3A_44] : memref<1x1024x1xf32, #tpu.memory_space<vmem>>, vector<1x1024x1xf32>
      %get3A_46 = vector.shape_cast %get3A_45 : vector<1x1024x1xf32> to vector<1024x1xf32>
      %mul3A_47 = vector.broadcast %get3A_46 : vector<1024x1xf32> to vector<1024x16xf32>
      %mul3A_48 = arith.mulf %max3A, %mul3A_47 : vector<1024x16xf32>
      %tile3A = tpu.concatenate %mul3A_48, %mul3A_48, %mul3A_48, %mul3A_48, %mul3A_48, %mul3A_48, %mul3A_48, %mul3A_48, %mul3A_48, %mul3A_48, %mul3A_48, %mul3A_48, %mul3A_48, %mul3A_48, %mul3A_48, %mul3A_48 in 1 : vector<1024x16xf32>, vector<1024x16xf32>, vector<1024x16xf32>, vector<1024x16xf32>, vector<1024x16xf32>, vector<1024x16xf32>, vector<1024x16xf32>, vector<1024x16xf32>, vector<1024x16xf32>, vector<1024x16xf32>, vector<1024x16xf32>, vector<1024x16xf32>, vector<1024x16xf32>, vector<1024x16xf32>, vector<1024x16xf32>, vector<1024x16xf32> -> vector<1024x256xf32>
      %get3A_49 = arith.constant 0 : index
      %get3A_50 = arith.constant 0 : index
      %get3A_51 = vector.load %arg6[%get3A_49, %get3A_50] : memref<1x256xf32, #tpu.memory_space<vmem>>, vector<1x256xf32>
      %sub3A = vector.broadcast %get3A_51 : vector<1x256xf32> to vector<1024x256xf32>
      %sub3A_52 = arith.subf %sub3A, %tile3A : vector<1024x256xf32>
      %mul3A_53 = arith.constant 1.000000e+02 : f32
      %mul3A_54 = vector.broadcast %mul3A_53 : f32 to vector<1024x256xf32>
      %mul3A_55 = arith.mulf %mul3A_54, %sub3A_52 : vector<1024x256xf32>
      %mul3A_56 = arith.constant 5.000000e-01 : f32
      %mul3A_57 = vector.broadcast %mul3A_56 : f32 to vector<1024x256xf32>
      %mul3A_58 = arith.mulf %mul3A_57, %mul3A_55 : vector<1024x256xf32>
      %tanh3A = math.tanh %mul3A_58 : vector<1024x256xf32>
      %mul3A_59 = arith.constant 5.000000e-01 : f32
      %mul3A_60 = vector.broadcast %mul3A_59 : f32 to vector<1024x256xf32>
      %mul3A_61 = arith.mulf %mul3A_60, %tanh3A : vector<1024x256xf32>
      %add3A_62 = arith.constant 5.000000e-01 : f32
      %add3A_63 = vector.broadcast %add3A_62 : f32 to vector<1024x256xf32>
      %add3A_64 = arith.addf %mul3A_61, %add3A_63 : vector<1024x256xf32>
      %dot_general3A = arith.constant dense<0.000000e+00> : vector<64x256xf32>
      %dot_general3A_65 = tpu.matmul %convert_element_type3A_35, %add3A_64, %dot_general3A {dimension_numbers = #tpu.dot_dimension_numbers<[1], [0], [0], [1], [0, 0, 1, 1], [], []>, precision = #tpu.contract_precision<fp32>, transpose_lhs_hint = false} : vector<64x1024xf32>, vector<1024x256xf32>, vector<64x256xf32> -> vector<64x256xf32>
      %get3A_66 = arith.constant 0 : index
      %get3A_67 = arith.constant 0 : index
      %get3A_68 = vector.load %arg14[%get3A_66, %get3A_67] : memref<64x256xf32, #tpu.memory_space<vmem>>, vector<64x256xf32>
      %get3A_69 = arith.constant 0 : index
      %get3A_70 = arith.constant 0 : index
      %get3A_71 = vector.load %arg16[%get3A_69, %get3A_70] : memref<64x256xf32, #tpu.memory_space<vmem>>, vector<64x256xf32>
      %sub3A_72 = arith.subf %dot_general3A_65, %get3A_71 : vector<64x256xf32>
      %add3A_73 = arith.addf %get3A_68, %sub3A_72 : vector<64x256xf32>
      %sub3A_74 = arith.subf %add3A_73, %get3A_68 : vector<64x256xf32>
      %sub3A_75 = arith.subf %sub3A_74, %sub3A_72 : vector<64x256xf32>
      %swap3A = arith.constant 0 : index
      %swap3A_76 = arith.constant 0 : index
      %swap3A_77 = vector.load %arg16[%swap3A, %swap3A_76] : memref<64x256xf32, #tpu.memory_space<vmem>>, vector<64x256xf32>
      tpu.vector_store %arg16[%swap3A, %swap3A_76], %sub3A_75 {strides = array<i32>} : memref<64x256xf32, #tpu.memory_space<vmem>>, vector<64x256xf32>,
      %swap3A_78 = arith.constant 0 : index
      %swap3A_79 = arith.constant 0 : index
      %swap3A_80 = vector.load %arg14[%swap3A_78, %swap3A_79] : memref<64x256xf32, #tpu.memory_space<vmem>>, vector<64x256xf32>
      tpu.vector_store %arg14[%swap3A_78, %swap3A_79], %add3A_73 {strides = array<i32>} : memref<64x256xf32, #tpu.memory_space<vmem>>, vector<64x256xf32>,
    } else {
    }
    %eq3A_6 = arith.constant 160 : i32
    %eq3A_7 = arith.cmpi eq, %arg0, %eq3A_6 : i32
    %convert_element_type3A_8 = arith.extui %eq3A_7 : i1 to i32
    %cond3A_9 = arith.constant 0 : i32
    %cond3A_10 = arith.cmpi ne, %convert_element_type3A_8, %cond3A_9 : i32
    scf.if %cond3A_10 {
      %get3A = arith.constant 0 : index
      %get3A_11 = arith.constant 0 : index
      %get3A_12 = vector.load %arg7[%get3A, %get3A_11] : memref<64x256xf32, #tpu.memory_space<vmem>>, vector<64x256xf32>
      %get3A_13 = arith.constant 0 : index
      %get3A_14 = arith.constant 0 : index
      %get3A_15 = vector.load %arg14[%get3A_13, %get3A_14] : memref<64x256xf32, #tpu.memory_space<vmem>>, vector<64x256xf32>
      %sub3A = arith.subf %get3A_12, %get3A_15 : vector<64x256xf32>
      %swap3A = arith.constant 0 : index
      %swap3A_16 = arith.constant 0 : index
      %swap3A_17 = vector.load %arg13[%swap3A, %swap3A_16] : memref<64x256xf32, #tpu.memory_space<vmem>>, vector<64x256xf32>
      tpu.vector_store %arg13[%swap3A, %swap3A_16], %sub3A {strides = array<i32>} : memref<64x256xf32, #tpu.memory_space<vmem>>, vector<64x256xf32>,
      %convert_element_type3A_18 = arith.truncf %sub3A : vector<64x256xf32> to vector<64x256xbf16>
      %get3A_19 = arith.constant 0 : index
      %get3A_20 = arith.constant 0 : index
      %get3A_21 = vector.load %arg8[%get3A_19, %get3A_20] : memref<256x4096xbf16, #tpu.memory_space<vmem>>, vector<256x4096xbf16>
      %dot_general3A = arith.constant dense<0.000000e+00> : vector<64x4096xf32>
      %dot_general3A_22 = tpu.matmul %convert_element_type3A_18, %get3A_21, %dot_general3A {dimension_numbers = #tpu.dot_dimension_numbers<[1], [0], [0], [1], [0, 0, 1, 1], [], []>, transpose_lhs_hint = false} : vector<64x256xbf16>, vector<256x4096xbf16>, vector<64x4096xf32> -> vector<64x4096xf32>
      %get3A_23 = arith.constant 0 : index
      %get3A_24 = arith.constant 0 : index
      %get3A_25 = vector.load %arg9[%get3A_23, %get3A_24] : memref<1x4096xf32, #tpu.memory_space<vmem>>, vector<1x4096xf32>
      %add3A = vector.broadcast %get3A_25 : vector<1x4096xf32> to vector<64x4096xf32>
      %add3A_26 = arith.addf %dot_general3A_22, %add3A : vector<64x4096xf32>
      %cos3A = math.cos %add3A_26 : vector<64x4096xf32>
      %mul3A = arith.constant 0.0220970865 : f32
      %mul3A_27 = vector.broadcast %mul3A : f32 to vector<64x4096xf32>
      %mul3A_28 = arith.mulf %mul3A_27, %cos3A : vector<64x4096xf32>
      %convert_element_type3A_29 = arith.truncf %mul3A_28 : vector<64x4096xf32> to vector<64x4096xbf16>
      %get3A_30 = arith.constant 0 : index
      %get3A_31 = arith.constant 0 : index
      %get3A_32 = vector.load %arg10[%get3A_30, %get3A_31] : memref<4096x128xbf16, #tpu.memory_space<vmem>>, vector<4096x128xbf16>
      %dot_general3A_33 = arith.constant dense<0.000000e+00> : vector<64x128xf32>
      %dot_general3A_34 = tpu.matmul %convert_element_type3A_29, %get3A_32, %dot_general3A_33 {dimension_numbers = #tpu.dot_dimension_numbers<[1], [0], [0], [1], [0, 0, 1, 1], [], []>, transpose_lhs_hint = false} : vector<64x4096xbf16>, vector<4096x128xbf16>, vector<64x128xf32> -> vector<64x128xf32>
      %get3A_35 = arith.constant 0 : index
      %get3A_36 = arith.constant 0 : index
      %get3A_37 = vector.load %arg11[%get3A_35, %get3A_36] : memref<1x128xf32, #tpu.memory_space<vmem>>, vector<1x128xf32>
      %add3A_38 = vector.broadcast %get3A_37 : vector<1x128xf32> to vector<64x128xf32>
      %add3A_39 = arith.addf %dot_general3A_34, %add3A_38 : vector<64x128xf32>
      %swap3A_40 = arith.constant 0 : index
      %swap3A_41 = arith.constant 0 : index
      %swap3A_42 = vector.load %arg12[%swap3A_40, %swap3A_41] : memref<64x128xf32, #tpu.memory_space<vmem>>, vector<64x128xf32>
      tpu.vector_store %arg12[%swap3A_40, %swap3A_41], %add3A_39 {strides = array<i32>} : memref<64x128xf32, #tpu.memory_space<vmem>>, vector<64x128xf32>,
    } else {
    }
    return
  }
  func.func @transform_0(%arg0: i32) -> (i32, i32) {
    %min3A = arith.constant 159 : i32
    %min3A_0 = arith.minsi %arg0, %min3A : i32
    %c0_i32 = arith.constant 0 : i32
    %c0_i32_1 = arith.constant 0 : i32
    return %min3A_0, %c0_i32 : i32, i32
  }
  func.func @transform_1(%arg0: i32) -> (i32, i32) {
    %min3A = arith.constant 159 : i32
    %min3A_0 = arith.minsi %arg0, %min3A : i32
    %c0_i32 = arith.constant 0 : i32
    %c0_i32_1 = arith.constant 0 : i32
    return %min3A_0, %c0_i32 : i32, i32
  }
  func.func @transform_2(%arg0: i32) -> (i32, i32, i32) {
    %min3A = arith.constant 159 : i32
    %min3A_0 = arith.minsi %arg0, %min3A : i32
    %c0_i32 = arith.constant 0 : i32
    %c0_i32_1 = arith.constant 0 : i32
    %c0_i32_2 = arith.constant 0 : i32
    return %min3A_0, %c0_i32, %c0_i32_1 : i32, i32, i32
  }
  func.func @transform_3(%arg0: i32) -> (i32, i32, i32) {
    %min3A = arith.constant 159 : i32
    %min3A_0 = arith.minsi %arg0, %min3A : i32
    %c0_i32 = arith.constant 0 : i32
    %c0_i32_1 = arith.constant 0 : i32
    %c0_i32_2 = arith.constant 0 : i32
    return %min3A_0, %c0_i32, %c0_i32_1 : i32, i32, i32
  }
  func.func @transform_4(%arg0: i32) -> (i32, i32) {
    %c0_i32 = arith.constant 0 : i32
    %c0_i32_0 = arith.constant 0 : i32
    %c0_i32_1 = arith.constant 0 : i32
    return %c0_i32, %c0_i32_0 : i32, i32
  }
  func.func @transform_5(%arg0: i32) -> (i32, i32) {
    %c0_i32 = arith.constant 0 : i32
    %c0_i32_0 = arith.constant 0 : i32
    %c0_i32_1 = arith.constant 0 : i32
    return %c0_i32, %c0_i32_0 : i32, i32
  }
  func.func @transform_6(%arg0: i32) -> (i32, i32) {
    %c0_i32 = arith.constant 0 : i32
    %c0_i32_0 = arith.constant 0 : i32
    %c0_i32_1 = arith.constant 0 : i32
    return %c0_i32, %c0_i32_0 : i32, i32
  }
  func.func @transform_7(%arg0: i32) -> (i32, i32) {
    %c0_i32 = arith.constant 0 : i32
    %c0_i32_0 = arith.constant 0 : i32
    %c0_i32_1 = arith.constant 0 : i32
    return %c0_i32, %c0_i32_0 : i32, i32
  }
  func.func @transform_8(%arg0: i32) -> (i32, i32) {
    %c0_i32 = arith.constant 0 : i32
    %c0_i32_0 = arith.constant 0 : i32
    %c0_i32_1 = arith.constant 0 : i32
    return %c0_i32, %c0_i32_0 : i32, i32
  }
  func.func @transform_9(%arg0: i32) -> (i32, i32) {
    %c0_i32 = arith.constant 0 : i32
    %c0_i32_0 = arith.constant 0 : i32
    %c0_i32_1 = arith.constant 0 : i32
    return %c0_i32, %c0_i32_0 : i32, i32
  }
  func.func @transform_10(%arg0: i32) -> (i32, i32) {
    %c0_i32 = arith.constant 0 : i32
    %c0_i32_0 = arith.constant 0 : i32
    %c0_i32_1 = arith.constant 0 : i32
    return %c0_i32, %c0_i32_0 : i32, i32
  }
  func.func @transform_11(%arg0: i32) -> (i32, i32) {
    %c0_i32 = arith.constant 0 : i32
    %c0_i32_0 = arith.constant 0 : i32
    %c0_i32_1 = arith.constant 0 : i32
    return %c0_i32, %c0_i32_0 : i32, i32
  }
  func.func @transform_12(%arg0: i32) -> (i32, i32) {
    %c0_i32 = arith.constant 0 : i32
    %c0_i32_0 = arith.constant 0 : i32
    %c0_i32_1 = arith.constant 0 : i32
    return %c0_i32, %c0_i32_0 : i32, i32
  }
}

</mosaic_0001>

<sc_bundles>
// kernel: kernel.5.cloned.1.call-start
scs
__scs_entry_jumppad:
0x0: {  	(pc) =	sbr.rel $0x88, $3  }
0x1: {  	(tag) =	ssettag $0x0;
	lr =	simm.s32 $0x1  }
0x2: {  	[smem:$0x3F96] =	sst lr;
	_ =	strace $0xD0000000  }
0x3: {  	_ = 	snop  }
0x4: {  	_ = 	snop  }
0x5: {  	_ = 	snop  }
0x6: {  	_ = 	snop  }
0x7: {  	_ = 	snop  }
__scs_overlays_trampoline_lowered:
0x8: {  	[smem:$0x3FA5] =	sst s0  }
0x9: {  	[smem:$0x3FA6] =	sst s1  }
0xa: {  	[smem:$0x3FA7] =	sst s2  }
0xb: {  	[smem:$0x3FA8] =	sst s3  }
0xc: {  	[smem:$0x3FA9] =	sst s4  }
0xd: {  	[smem:$0x3FAA] =	sst s5  }
0xe: {  	[smem:$0x3FAB] =	sst s6  }
0xf: {  	[smem:$0x3FAC] =	sst s7  }
0x10: {  	[smem:$0x3FAD] =	sst s8  }
0x11: {  	[smem:$0x3FAE] =	sst s9;
	s0 =	simm.s32 @!p0 $0x0  }
0x12: {  	s1 =	sld [smem:$0x3F94];
	s0 =	simm.s32 @p0 $0x1  }
0x13: {  	[smem:$0x3FAF] =	sst s0;
	s0 =	simm.s32 @!p1 $0x0  }
0x14: {  	s2 =	sld [smem:$0x3F93];
	s0 =	simm.s32 @p1 $0x1  }
0x15: {  	[smem:$0x3FB0] =	sst s0;
	s0 =	simm.s32 @!p2 $0x0  }
0x16: {  	s3 =	sld [smem:$0x3FDB];
	s0 =	simm.s32 @p2 $0x1  }
0x17: {  	s4 =	simm.s32 $0x1BF5;
	[smem:$0x3FB2] =	sst s0  }
0x18: {  	s0 =	sld [smem:$0x3F95];
	_ =	swait.ge [sflag:s4], $0x0  }
0x19: {  	s7 =	sld [smem:$0x3F96]  }
0x1a: {  	s8 =	sadd.s32 $0xFFFFE003, lr  }
0x1b: {  	s9 =	sadd.s32 $0xFFFFFEF7, lr;
	s5 =	simm.s32 $0xFFFFFFFF;
	p2 =	slt.u32 s8, $0xFFFFF086  }
0x1c: {  	p1 =	slt.u32 s9, $0xF7A;
	s5 =	simm.s32 @!p2 $0x0  }
0x1d: {  	s5 =	simm.s32 @p1 $0x1;
	p0 =	seq.s32 s7, s2  }
0x1e: {  	s7 =	smul.u32 @!p0 $0xF7A, s2;
	p2 =	seq.s32 @!p0 s5, $0x0  }
0x1f: {  	s9 =	smul.u32 $0xF7A, s1;
	s8 =	simm.s32 @!p0 $0x1BF5;
	p2 =	por !p2, p0  }
0x20: {  	[sflag:s8] =	ssyncset.s32 @!p0 $0xFFFFF086;
	s6 =	sadd.s32 @!p0 s3, s7;
	s7 =	simm.s32 @!p0 $0x108  }
0x21: {  	s3 =	sadd.s32 s3, s9;
	s6 =	sadd.s32 @!p0 $0x88, s6;
	s7 =	simm.s32 @p2 $0x1082  }
0x22: {  	[simem:s7], [sflag:s8] =	dma.local @!p0 [hbm:s6], $0xF7A  }
0x23: {  	s9 =	sor.u32 $0xD0000000, s2;
	s6 =	simm.s32 $0x108;
	_ =	swait.ge @!p0 [sflag:s8], $0x0  }
0x24: {  	s3 =	sadd.s32 $0x88, s3;
	s6 =	simm.s32 @!p1 $0x1082;
	[sflag:s4] =	ssyncset.s32 $0xFFFFF086  }
0x25: {  	[simem:s6], [sflag:s4] =	dma.local [hbm:s3], $0xF7A  }
0x26: {  	[smem:$0x3F96] =	sst s1;
	(tag) =	ssettag s2;
	_ =	strace s9  }
0x27: {  	s1 =	sld [smem:$0x3FA6]  }
0x28: {  	s2 =	sld [smem:$0x3FA7]  }
0x29: {  	s4 =	sld [smem:$0x3FA9]  }
0x2a: {  	p0 =	seq.s32 s5, $0x0;
	s5 =	sld [smem:$0x3FAA]  }
0x2b: {  	s6 =	sld [smem:$0x3FAB]  }
0x2c: {  	s7 =	sld [smem:$0x3FAC]  }
0x2d: {  	s3 =	simm.s32 $0x108;
	s8 =	sld [smem:$0x3FAD]  }
0x2e: {  	s3 =	simm.s32 @!p0 $0x1082;
	s9 =	sld [smem:$0x3FAE]  }
0x2f: {  	lr =	sadd.s32 s0, s3;
	s0 =	sld [smem:$0x3FA5]  }
0x30: {  	s3 =	sld [smem:$0x3FA8]  }
0x31: {  	[smem:$0x3FB1] =	sst s10  }
0x32: {  	s10 =	sld [smem:$0x3FAF];
	_ =	sdelay $0x3  }
0x33: {  	p0 =	seq.s32 s10, $0x1;
	s10 =	sld [smem:$0x3FB1];
	_ =	sdelay $0x3  }
0x34: {  	[smem:$0x3FB1] =	sst s10  }
0x35: {  	s10 =	sld [smem:$0x3FB0];
	_ =	sdelay $0x3  }
0x36: {  	p1 =	seq.s32 s10, $0x1;
	s10 =	sld [smem:$0x3FB1];
	_ =	sdelay $0x3  }
0x37: {  	[smem:$0x3FB1] =	sst s10  }
0x38: {  	s10 =	sld [smem:$0x3FB2]  }
0x39: {  	_ = 	snop;
	(pc) =	sbr.ind lr, $3  }
0x3a: {  	_ = 	snop  }
0x3b: {  	_ = 	snop  }
0x3c: {  	p2 =	seq.s32 s10, $0x1;
	s10 =	sld [smem:$0x3FB1]  }
0x3d: {  	_ =	shalt  }
0x3e: {  	_ =	shalt  }
0x3f: {  	_ =	shalt  }
0x40: {  	_ =	shalt  }
0x41: {  	_ =	shalt  }
0x42: {  	_ =	shalt  }
0x43: {  	_ =	shalt  }
0x44: {  	_ =	shalt  }
0x45: {  	_ =	shalt  }
0x46: {  	_ =	shalt  }
0x47: {  	_ =	shalt  }
0x48: {  	_ =	shalt  }
0x49: {  	_ =	shalt  }
0x4a: {  	_ =	shalt  }
0x4b: {  	_ =	shalt  }
0x4c: {  	_ =	shalt  }
0x4d: {  	_ =	shalt  }
0x4e: {  	_ =	shalt  }
0x4f: {  	_ =	shalt  }
0x50: {  	_ =	shalt  }
0x51: {  	_ =	shalt  }
0x52: {  	_ =	shalt  }
0x53: {  	_ =	shalt  }
0x54: {  	_ =	shalt  }
0x55: {  	_ =	shalt  }
0x56: {  	_ =	shalt  }
0x57: {  	_ =	shalt  }
0x58: {  	_ =	shalt  }
0x59: {  	_ =	shalt  }
0x5a: {  	_ =	shalt  }
0x5b: {  	_ =	shalt  }
0x5c: {  	_ =	shalt  }
0x5d: {  	_ =	shalt  }
0x5e: {  	_ =	shalt  }
0x5f: {  	_ =	shalt  }
0x60: {  	_ =	shalt  }
0x61: {  	_ =	shalt  }
0x62: {  	_ =	shalt  }
0x63: {  	_ =	shalt  }
0x64: {  	_ =	shalt  }
0x65: {  	_ =	shalt  }
0x66: {  	_ =	shalt  }
0x67: {  	_ =	shalt  }
0x68: {  	_ =	shalt  }
0x69: {  	_ =	shalt  }
0x6a: {  	_ =	shalt  }
0x6b: {  	_ =	shalt  }
0x6c: {  	_ =	shalt  }
0x6d: {  	_ =	shalt  }
0x6e: {  	_ =	shalt  }
0x6f: {  	_ =	shalt  }
0x70: {  	_ =	shalt  }
0x71: {  	_ =	shalt  }
0x72: {  	_ =	shalt  }
0x73: {  	_ =	shalt  }
0x74: {  	_ =	shalt  }
0x75: {  	_ =	shalt  }
0x76: {  	_ =	shalt  }
0x77: {  	_ =	shalt  }
0x78: {  	_ =	shalt  }
0x79: {  	_ =	shalt  }
0x7a: {  	_ =	shalt  }
0x7b: {  	_ =	shalt  }
0x7c: {  	_ =	shalt  }
0x7d: {  	_ =	shalt  }
0x7e: {  	_ =	shalt  }
0x7f: {  	_ =	shalt  }
0x80: {  	_ =	shalt  }
0x81: {  	_ =	shalt  }
0x82: {  	_ =	shalt  }
0x83: {  	_ =	shalt  }
0x84: {  	_ =	shalt  }
0x85: {  	_ =	shalt  }
0x86: {  	_ =	shalt  }
0x87: {  	_ =	shalt  }
.Lfunc_end0:
.L_simem_size_0:
called_computation_lowered:
.L_overlay_start_0:
0x88: {  	s2 =	sld [smem:$0x3FD9]  }
0x89: {  	s3 =	sld [smem:$0x3FFE];
	_ =	sdelay $0x1  }
0x8a: {  	s1 =	srdreg.scid  }
0x8b: {  	s0 =	sand.u32 $0x1, s1  }
0x8c: {  	s16 =	sshll.u32 s0, $0xA;
	s2 =	sadd.s32 s3, s2  }
0x8d: {  	s2 =	sadd.s32 s2, s16  }
0x8e: {  	[smem:$0x3FBD] =	sst s2  }
0x8f: {  	_ = 	snop  }
0x90: {  	(tm) =	ssettm $0x1  }
0x91: {  	s17 =	sld [smem:$0x3FFB];
	_ =	sdelay $0x3  }
0x92: {  	_ =	strace s17  }
0x93: {  	s2 =	sld [smem:$0x3FFC];
	_ =	sdelay $0x3  }
0x94: {  	_ =	strace s2  }
0x95: {  	s2 =	sld [smem:$0x3FFD];
	_ =	sdelay $0x3  }
0x96: {  	_ =	strace s2  }
0x97: {  	_ =	strace $0x8FFFFFFF  }
0x98: {  	s18 =	sld [smem:$0x3FDB];
	_ =	sdelay $0x1  }
0x99: {  	s19 =	simm.s32 $_scs_section_size  }
0x9a: {  	s4 =	simm.s32 $_size__tile_overlayer_lowered;
	s5 =	simm.s32 $_tile_overlayer_lowered  }
0x9b: {  	s22 =	simm.s32 $0x1BFF;
	s21 =	sshll.u32 s5, $0x1;
	s2 =	sadd.s32 s19, s18  }
0x9c: {  	s6 =	simm.s32 $0x0;
	s20 =	sshll.u32 s4, $0x1;
	s4 =	sadd.s32 s21, s2  }
0x9d: {  	[timem:s6], [sflag:s22] =	dma.local [hbm:s4], s20  }
0x9e: {  	_ =	swait.ge [sflag:s22], s20  }
0x9f: {  	s3 =	ssub.s32 $0x0, s20;
	[sflag:s22] =	ssyncset.done $0x0  }
0xa0: {  	[sflag:s22] =	ssyncadd.s32 s3;
	_ =	sdelay $0x1  }
0xa1: {  	s23 =	simm.s32 $0x1B8B  }
0xa2: {  	_ =	swait.ge [sflag:s23], $0x1  }
0xa3: {  	[sflag:s23] =	ssyncset.done $0x0  }
0xa4: {  	s25 =	simm.s32 $0x1B8E;
	s24 =	sld [smem:$0x3FFE];
	[sflag:s23] =	ssyncadd.s32 $0xFFFFFFFF  }
0xa5: {  	s26 =	simm.s32 $execute0_lowered;
	[smem:$0x3FD2] =	sst s25  }
0xa6: {  	s4 =	sshll.u32 s26, $0x1;
	_ =	strace $0x80000046;
	[dreg:$0x1] =	wrdreg $0xFFFFFFFF  }
0xa7: {  	s28 =	simm.s32 $_size_execute0_lowered;
	s2 =	sadd.s32 s2, s4;
	[dreg:$0x0] =	wrdreg $0x0  }
0xa8: {  	s4 =	sshll.u32 s28, $0x1;
	[dreg:$0x2] =	wrdreg s2  }
0xa9: {  	[dreg:$0x3] =	wrdreg s4  }
0xaa: {  	[dreg:$0x4] =	wrdreg $0xC0  }
0xab: {  	_ =	task [dreg:s6], $0x5FFFF  }
0xac: {  	[dreg:$0x1] =	wrdreg $0xFFFFFFFF  }
0xad: {  	[dreg:$0x0] =	wrdreg $0x60  }
0xae: {  	[dreg:$0x2] =	wrdreg s24  }
0xaf: {  	[dreg:$0x3] =	wrdreg $0x0  }
0xb0: {  	[dreg:$0x4] =	wrdreg $0x9  }
0xb1: {  	_ =	task.clear_ibuf [dreg:s6], $0x5FFFF;
	_ =	strace $0x90000046  }
0xb2: {  	s29 =	simm.s32 $0x9;
	_ =	strace $0x80000048  }
0xb3: {  	_ =	swait.ge [sflag:s29], $0x1  }
0xb4: {  	[sflag:s29] =	ssyncadd.s32 $0xFFFFFFFF  }
0xb5: {  	_ =	strace $0x90000048  }
0xb6: {  	_ =	sfence  }
0xb7: {  	s30 =	sld [smem:$0x0];
	_ =	sdelay $0x2  }
0xb8: {  	s31 =	sshll.u32 s1, $0xD;
	s1 =	sshrl.u32 s1, $0x2  }
0xb9: {  	s3 =	sand.u32 $0x4000, s31;
	s1 =	sadd.s32 s1, s30  }
0xba: {  	s0 =	sor.u32 s3, s0;
	s1 =	sshll.u32 s1, $0x11  }
0xbb: {  	s0 =	sor.u32 s1, s0  }
0xbc: {  	s0 =	sadd.s32 $0x8F2B, s0  }
0xbd: {  	[sflag:s0] =	ssyncadd.remote.s32 $0x1  }
0xbe: {  	_ =	sfence.sel $0xFFFF  }
0xbf: {  	[dreg:$0x0] =	wrdreg $0xFFFFFFFF;
	(pc) =	sbr.abs _section_cstart, $3  }
0xc0: {  	[dreg:$0x1] =	wrdreg $0xFFFFFFFF  }
0xc1: {  	_ =	task.clear_ibuf [dreg:s6], $0x2FFFF;
	_ =	strace $0x9FFFFFFF  }
0xc2: {  	(tm) =	ssettm $0x7FFFFFFF  }
0xc3: {  	_ =	shalt  }
tec
execute0_lowered:
.L_overlay_start_1:
0x0: {  	(tag) =	ssettag $0x1  }
0x1: {  	s4 =	rddreg [dreg:$0x0]  }
0x2: {  	s1 =	rddreg [dreg:$0x1]  }
0x3: {  	s0 =	rddreg [dreg:$0x2];
	s2 =	simm.s32 $0x0;
	s3 =	srdreg.scid  }
0x4: {  	s7 =	stileid.u32;
	s11 =	simm.s32 $0x1;
	s12 =	simm.s32 $0x14080  }
0x5: {  	s13 =	simm.s32 $0x40;
	s14 =	simm.s32 $0x14100;
	s15 =	simm.s32 $0x16100  }
0x6: {  	s16 =	simm.s32 $0x18100;
	s17 =	simm.s32 $0x18500;
	s6 =	smul.u32 $0x2800, s7  }
0x7: {  	s18 =	simm.s32 $0x0;
	s5 =	sand.u32 $0x1, s3;
	s9 =	smul.u32 $0x5000, s7  }
0x8: {  	[smem:$0x7FF] =	sst s2;
	s3 =	sadd.s32 $0xBC00, s4;
	s8 =	smul.u32 $0x1400, s5  }
0x9: {  	p0 =	sne.s32 s7, $0x0;
	s10 =	ssub.s32 $0x2, s5;
	s5 =	smul.u32 $0x2800, s5  }
0xa: {  	_ =	strace $0x80000047;
	s29 =	sshrl.u32 s10, $0x1;
	s9 =	sadd.s32 s9, s4  }
0xb: {  	s6 =	sadd.s32 s8, s6;
	s8 =	ssub.s32 s10, s29;
	s31 =	sadd.s32 s5, s9  }
0xc: {  	s9 =	sshrl.u32 @!p0 s1, $0x3;
	s10 =	simm.s32 $0x14000;
	s6 =	sshrl.u32 s6, $0x3  }
0xd: {  	s5 =	sadd.s32 $0x83C00, s31;
	s30 =	sadd.s32 s6, s4;
	s4 =	smax.u32 s8, $0x1  }
0xe: {  	s6 =	sadd.s32 $0x33C00, s31;
	s7 =	sadd.s32 $0x6C00, s30;
	s8 =	sadd.s32 $0x1C00, s30  }
.LBB2_1:
0xf: {  	s19 =	simm.s32 @!p0 $0x1C01  }
0x10: {  	[spmem:s9], [sflag:s19] =	dma.local @!p0 [hbm:s3], $0x28000  }
0x11: {  	s19 =	simm.s32 @!p0 $0x1  }
0x12: {  	_ =	swait.ge @!p0 [sflag:s19], $0x28000  }
0x13: {  	[sflag:s19] =	ssyncset.done @!p0 $0x0  }
0x14: {  	s20 =	smov.u32 s5;
	[sflag:s19] =	ssyncadd.s32 @!p0 $0xFFFD8000  }
0x15: {  	s21 =	simm.s32 $0x0;
	s19 =	smov.u32 s6;
	[bflag:$0x0] =	sbarrier.arrive $0xFFFF  }
.LBB2_2:
0x16: {  	s22 =	sadd.s32 s21, s8  }
0x17: {  	[tilespmem:s10], [sflag:$0x1] =	stream.linear.gather [hbm4b:s22+s2], $0x40, $0x38;
	[tilespmem:$0x18900] =	vst v63  }
0x18: {  	_ =	swait.ge [sflag:s11], $0x40  }
0x19: {  	[sflag:s11] =	ssyncset.done $0x0  }
0x1a: {  	s31 =	sadd.s32 s21, s7;
	[sflag:s11] =	ssyncadd.s32 $0xFFFFFFC0  }
0x1b: {  	[tilespmem:s12], [sflag:$0x1] =	stream.linear.gather [hbm4b:s31+s2], $0x40, $0x38;
	[tilespmem:$0x18900] =	vst v63  }
0x1c: {  	_ =	swait.ge [sflag:s11], $0x40  }
0x1d: {  	[sflag:s11] =	ssyncset.done $0x0  }
0x1e: {  	[sflag:s11] =	ssyncadd.s32 $0xFFFFFFC0  }
0x1f: {  	[tilespmem:s14], [sflag:$0x1] =	stream.indirect.gather [spmem:s1], $0x80, s10, s13, $0xb8;
	[tilespmem:$0x18900] =	vst v63  }
0x20: {  	_ =	swait.ge [sflag:s11], $0x2000  }
0x21: {  	[sflag:s11] =	ssyncset.done $0x0  }
0x22: {  	[sflag:s11] =	ssyncadd.s32 $0xFFFFE000  }
0x23: {  	[tilespmem:s15], [sflag:$0x1] =	stream.indirect.gather [spmem:s1], $0x80, s12, s13, $0xb8;
	[tilespmem:$0x18900] =	vst v63  }
0x24: {  	_ =	swait.ge [sflag:s11], $0x2000  }
0x25: {  	[sflag:s11] =	ssyncset.done $0x0  }
0x26: {  	[sflag:s11] =	ssyncadd.s32 $0xFFFFE000  }
0x27: {  	v0 =	vld [tilespmem:$0x14100]  }
0x28: {  	v1 =	vld [tilespmem:$0x16100]  }
0x29: {  	v2 =	vld [tilespmem:$0x14180]  }
0x2a: {  	v3 =	vld [tilespmem:$0x16180]  }
0x2b: {  	v4 =	vld [tilespmem:$0x14200]  }
0x2c: {  	v53 =	vld [tilespmem:$0x16200];
	[tilespmem:$0x18100] =	vst v0  }
0x2d: {  	v54 =	vld [tilespmem:$0x14280];
	[tilespmem:$0x18500] =	vst v1  }
0x2e: {  	v55 =	vld [tilespmem:$0x16280];
	[tilespmem:$0x18110] =	vst v2  }
0x2f: {  	v56 =	vld [tilespmem:$0x14300];
	[tilespmem:$0x18510] =	vst v3  }
0x30: {  	v57 =	vld [tilespmem:$0x16300];
	[tilespmem:$0x18120] =	vst v4  }
0x31: {  	v58 =	vld [tilespmem:$0x14380];
	[tilespmem:$0x18520] =	vst v53  }
0x32: {  	v59 =	vld [tilespmem:$0x16380];
	[tilespmem:$0x18130] =	vst v54  }
0x33: {  	v60 =	vld [tilespmem:$0x14400];
	[tilespmem:$0x18530] =	vst v55  }
0x34: {  	v61 =	vld [tilespmem:$0x16400];
	[tilespmem:$0x18140] =	vst v56  }
0x35: {  	v62 =	vld [tilespmem:$0x14480];
	[tilespmem:$0x18540] =	vst v57  }
0x36: {  	v63 =	vld [tilespmem:$0x16480];
	[tilespmem:$0x18150] =	vst v58  }
0x37: {  	v8 =	vld [tilespmem:$0x14500];
	[tilespmem:$0x18550] =	vst v59  }
0x38: {  	v9 =	vld [tilespmem:$0x16500];
	[tilespmem:$0x18160] =	vst v60  }
0x39: {  	v10 =	vld [tilespmem:$0x14580];
	[tilespmem:$0x18560] =	vst v61  }
0x3a: {  	v11 =	vld [tilespmem:$0x16580];
	[tilespmem:$0x18170] =	vst v62  }
0x3b: {  	v12 =	vld [tilespmem:$0x14600];
	[tilespmem:$0x18570] =	vst v63  }
0x3c: {  	v13 =	vld [tilespmem:$0x16600];
	[tilespmem:$0x18180] =	vst v8  }
0x3d: {  	v14 =	vld [tilespmem:$0x14680];
	[tilespmem:$0x18580] =	vst v9  }
0x3e: {  	v15 =	vld [tilespmem:$0x16680];
	[tilespmem:$0x18190] =	vst v10  }
0x3f: {  	v16 =	vld [tilespmem:$0x14700];
	[tilespmem:$0x18590] =	vst v11  }
0x40: {  	v17 =	vld [tilespmem:$0x16700];
	[tilespmem:$0x181A0] =	vst v12  }
0x41: {  	v18 =	vld [tilespmem:$0x14780];
	[tilespmem:$0x185A0] =	vst v13  }
0x42: {  	v19 =	vld [tilespmem:$0x16780];
	[tilespmem:$0x181B0] =	vst v14  }
0x43: {  	v20 =	vld [tilespmem:$0x14800];
	[tilespmem:$0x185B0] =	vst v15  }
0x44: {  	v21 =	vld [tilespmem:$0x16800];
	[tilespmem:$0x181C0] =	vst v16  }
0x45: {  	v22 =	vld [tilespmem:$0x14880];
	[tilespmem:$0x185C0] =	vst v17  }
0x46: {  	v23 =	vld [tilespmem:$0x16880];
	[tilespmem:$0x181D0] =	vst v18  }
0x47: {  	v24 =	vld [tilespmem:$0x14900];
	[tilespmem:$0x185D0] =	vst v19  }
0x48: {  	v25 =	vld [tilespmem:$0x16900];
	[tilespmem:$0x181E0] =	vst v20  }
0x49: {  	v26 =	vld [tilespmem:$0x14980];
	[tilespmem:$0x185E0] =	vst v21  }
0x4a: {  	v27 =	vld [tilespmem:$0x16980];
	[tilespmem:$0x181F0] =	vst v22  }
0x4b: {  	v28 =	vld [tilespmem:$0x14A00];
	[tilespmem:$0x185F0] =	vst v23  }
0x4c: {  	v29 =	vld [tilespmem:$0x16A00];
	[tilespmem:$0x18200] =	vst v24  }
0x4d: {  	v30 =	vld [tilespmem:$0x14A80];
	[tilespmem:$0x18600] =	vst v25  }
0x4e: {  	v31 =	vld [tilespmem:$0x16A80];
	[tilespmem:$0x18210] =	vst v26  }
0x4f: {  	v32 =	vld [tilespmem:$0x14B00];
	[tilespmem:$0x18610] =	vst v27  }
0x50: {  	v33 =	vld [tilespmem:$0x16B00];
	[tilespmem:$0x18220] =	vst v28  }
0x51: {  	v34 =	vld [tilespmem:$0x14B80];
	[tilespmem:$0x18620] =	vst v29  }
0x52: {  	v35 =	vld [tilespmem:$0x16B80];
	[tilespmem:$0x18230] =	vst v30  }
0x53: {  	v36 =	vld [tilespmem:$0x14C00];
	[tilespmem:$0x18630] =	vst v31  }
0x54: {  	v37 =	vld [tilespmem:$0x16C00];
	[tilespmem:$0x18240] =	vst v32  }
0x55: {  	v38 =	vld [tilespmem:$0x14C80];
	[tilespmem:$0x18640] =	vst v33  }
0x56: {  	v39 =	vld [tilespmem:$0x16C80];
	[tilespmem:$0x18250] =	vst v34  }
0x57: {  	v40 =	vld [tilespmem:$0x14D00];
	[tilespmem:$0x18650] =	vst v35  }
0x58: {  	v41 =	vld [tilespmem:$0x16D00];
	[tilespmem:$0x18260] =	vst v36  }
0x59: {  	v42 =	vld [tilespmem:$0x14D80];
	[tilespmem:$0x18660] =	vst v37  }
0x5a: {  	v43 =	vld [tilespmem:$0x16D80];
	[tilespmem:$0x18270] =	vst v38  }
0x5b: {  	v44 =	vld [tilespmem:$0x14E00];
	[tilespmem:$0x18670] =	vst v39  }
0x5c: {  	v45 =	vld [tilespmem:$0x16E00];
	[tilespmem:$0x18280] =	vst v40  }
0x5d: {  	v46 =	vld [tilespmem:$0x14E80];
	[tilespmem:$0x18680] =	vst v41  }
0x5e: {  	v47 =	vld [tilespmem:$0x16E80];
	[tilespmem:$0x18290] =	vst v42  }
0x5f: {  	v48 =	vld [tilespmem:$0x14F00];
	[tilespmem:$0x18690] =	vst v43  }
0x60: {  	v49 =	vld [tilespmem:$0x16F00];
	[tilespmem:$0x182A0] =	vst v44  }
0x61: {  	v50 =	vld [tilespmem:$0x14F80];
	[tilespmem:$0x186A0] =	vst v45  }
0x62: {  	v51 =	vld [tilespmem:$0x16F80];
	[tilespmem:$0x182B0] =	vst v46  }
0x63: {  	v52 =	vld [tilespmem:$0x15000];
	[tilespmem:$0x186B0] =	vst v47  }
0x64: {  	[tilespmem:$0x182C0] =	vst v48;
	v53 =	vld [tilespmem:$0x17000]  }
0x65: {  	[tilespmem:$0x186C0] =	vst v49;
	v54 =	vld [tilespmem:$0x15080]  }
0x66: {  	[tilespmem:$0x182D0] =	vst v50;
	v55 =	vld [tilespmem:$0x17080]  }
0x67: {  	[tilespmem:$0x186D0] =	vst v51;
	v56 =	vld [tilespmem:$0x15100]  }
0x68: {  	[tilespmem:$0x182E0] =	vst v52;
	v57 =	vld [tilespmem:$0x17100]  }
0x69: {  	v58 =	vld [tilespmem:$0x15180];
	[tilespmem:$0x186E0] =	vst v53  }
0x6a: {  	v59 =	vld [tilespmem:$0x17180];
	[tilespmem:$0x182F0] =	vst v54  }
0x6b: {  	v60 =	vld [tilespmem:$0x15200];
	[tilespmem:$0x186F0] =	vst v55  }
0x6c: {  	v61 =	vld [tilespmem:$0x17200];
	[tilespmem:$0x18300] =	vst v56  }
0x6d: {  	v62 =	vld [tilespmem:$0x15280];
	[tilespmem:$0x18700] =	vst v57  }
0x6e: {  	v63 =	vld [tilespmem:$0x17280];
	[tilespmem:$0x18310] =	vst v58  }
0x6f: {  	v8 =	vld [tilespmem:$0x15300];
	[tilespmem:$0x18710] =	vst v59  }
0x70: {  	v9 =	vld [tilespmem:$0x17300];
	[tilespmem:$0x18320] =	vst v60  }
0x71: {  	v10 =	vld [tilespmem:$0x15380];
	[tilespmem:$0x18720] =	vst v61  }
0x72: {  	v11 =	vld [tilespmem:$0x17380];
	[tilespmem:$0x18330] =	vst v62  }
0x73: {  	v12 =	vld [tilespmem:$0x15400];
	[tilespmem:$0x18730] =	vst v63  }
0x74: {  	v13 =	vld [tilespmem:$0x17400];
	[tilespmem:$0x18340] =	vst v8  }
0x75: {  	v14 =	vld [tilespmem:$0x15480];
	[tilespmem:$0x18740] =	vst v9  }
0x76: {  	v15 =	vld [tilespmem:$0x17480];
	[tilespmem:$0x18350] =	vst v10  }
0x77: {  	v16 =	vld [tilespmem:$0x15500];
	[tilespmem:$0x18750] =	vst v11  }
0x78: {  	v17 =	vld [tilespmem:$0x17500];
	[tilespmem:$0x18360] =	vst v12  }
0x79: {  	v18 =	vld [tilespmem:$0x15580];
	[tilespmem:$0x18760] =	vst v13  }
0x7a: {  	v19 =	vld [tilespmem:$0x17580];
	[tilespmem:$0x18370] =	vst v14  }
0x7b: {  	v20 =	vld [tilespmem:$0x15600];
	[tilespmem:$0x18770] =	vst v15  }
0x7c: {  	v21 =	vld [tilespmem:$0x17600];
	[tilespmem:$0x18380] =	vst v16  }
0x7d: {  	v22 =	vld [tilespmem:$0x15680];
	[tilespmem:$0x18780] =	vst v17  }
0x7e: {  	v23 =	vld [tilespmem:$0x17680];
	[tilespmem:$0x18390] =	vst v18  }
0x7f: {  	v24 =	vld [tilespmem:$0x15700];
	[tilespmem:$0x18790] =	vst v19  }
0x80: {  	v25 =	vld [tilespmem:$0x17700];
	[tilespmem:$0x183A0] =	vst v20  }
0x81: {  	v26 =	vld [tilespmem:$0x15780];
	[tilespmem:$0x187A0] =	vst v21  }
0x82: {  	v27 =	vld [tilespmem:$0x17780];
	[tilespmem:$0x183B0] =	vst v22  }
0x83: {  	v28 =	vld [tilespmem:$0x15800];
	[tilespmem:$0x187B0] =	vst v23  }
0x84: {  	v29 =	vld [tilespmem:$0x17800];
	[tilespmem:$0x183C0] =	vst v24  }
0x85: {  	v30 =	vld [tilespmem:$0x15880];
	[tilespmem:$0x187C0] =	vst v25  }
0x86: {  	v31 =	vld [tilespmem:$0x17880];
	[tilespmem:$0x183D0] =	vst v26  }
0x87: {  	v32 =	vld [tilespmem:$0x15900];
	[tilespmem:$0x187D0] =	vst v27  }
0x88: {  	v33 =	vld [tilespmem:$0x17900];
	[tilespmem:$0x183E0] =	vst v28  }
0x89: {  	v34 =	vld [tilespmem:$0x15980];
	[tilespmem:$0x187E0] =	vst v29  }
0x8a: {  	v35 =	vld [tilespmem:$0x17980];
	[tilespmem:$0x183F0] =	vst v30  }
0x8b: {  	v36 =	vld [tilespmem:$0x15A00];
	[tilespmem:$0x187F0] =	vst v31  }
0x8c: {  	v37 =	vld [tilespmem:$0x17A00];
	[tilespmem:$0x18400] =	vst v32  }
0x8d: {  	v38 =	vld [tilespmem:$0x15A80];
	[tilespmem:$0x18800] =	vst v33  }
0x8e: {  	v39 =	vld [tilespmem:$0x17A80];
	[tilespmem:$0x18410] =	vst v34  }
0x8f: {  	v40 =	vld [tilespmem:$0x15B00];
	[tilespmem:$0x18810] =	vst v35  }
0x90: {  	v41 =	vld [tilespmem:$0x17B00];
	[tilespmem:$0x18420] =	vst v36  }
0x91: {  	v42 =	vld [tilespmem:$0x15B80];
	[tilespmem:$0x18820] =	vst v37  }
0x92: {  	v43 =	vld [tilespmem:$0x17B80];
	[tilespmem:$0x18430] =	vst v38  }
0x93: {  	v44 =	vld [tilespmem:$0x15C00];
	[tilespmem:$0x18830] =	vst v39  }
0x94: {  	v45 =	vld [tilespmem:$0x17C00];
	[tilespmem:$0x18440] =	vst v40  }
0x95: {  	v46 =	vld [tilespmem:$0x15C80];
	[tilespmem:$0x18840] =	vst v41  }
0x96: {  	v47 =	vld [tilespmem:$0x17C80];
	[tilespmem:$0x18450] =	vst v42  }
0x97: {  	v48 =	vld [tilespmem:$0x15D00];
	[tilespmem:$0x18850] =	vst v43  }
0x98: {  	v49 =	vld [tilespmem:$0x17D00];
	[tilespmem:$0x18460] =	vst v44  }
0x99: {  	v50 =	vld [tilespmem:$0x15D80];
	[tilespmem:$0x18860] =	vst v45  }
0x9a: {  	v51 =	vld [tilespmem:$0x17D80];
	[tilespmem:$0x18470] =	vst v46  }
0x9b: {  	v52 =	vld [tilespmem:$0x15E00];
	[tilespmem:$0x18870] =	vst v47  }
0x9c: {  	[tilespmem:$0x18480] =	vst v48;
	v53 =	vld [tilespmem:$0x17E00]  }
0x9d: {  	[tilespmem:$0x18880] =	vst v49;
	v54 =	vld [tilespmem:$0x15E80]  }
0x9e: {  	[tilespmem:$0x18490] =	vst v50;
	v55 =	vld [tilespmem:$0x17E80]  }
0x9f: {  	[tilespmem:$0x18890] =	vst v51;
	v56 =	vld [tilespmem:$0x15F00]  }
0xa0: {  	[tilespmem:$0x184A0] =	vst v52;
	v57 =	vld [tilespmem:$0x17F00]  }
0xa1: {  	v58 =	vld [tilespmem:$0x15F80];
	[tilespmem:$0x188A0] =	vst v53  }
0xa2: {  	v59 =	vld [tilespmem:$0x17F80];
	[tilespmem:$0x184B0] =	vst v54  }
0xa3: {  	v60 =	vld [tilespmem:$0x16000];
	[tilespmem:$0x188B0] =	vst v55  }
0xa4: {  	v61 =	vld [tilespmem:$0x18000];
	[tilespmem:$0x184C0] =	vst v56  }
0xa5: {  	v62 =	vld [tilespmem:$0x16080];
	[tilespmem:$0x188C0] =	vst v57  }
0xa6: {  	v63 =	vld [tilespmem:$0x18080];
	[tilespmem:$0x184D0] =	vst v58  }
0xa7: {  	[tilespmem:$0x188D0] =	vst v59  }
0xa8: {  	[tilespmem:$0x184E0] =	vst v60  }
0xa9: {  	[tilespmem:$0x188E0] =	vst v61  }
0xaa: {  	[tilespmem:$0x184F0] =	vst v62  }
0xab: {  	[tilespmem:$0x188F0] =	vst v63  }
0xac: {  	[hbm4b:s19+s2] =	stream.linear.scatter [tilespmem:s16], [sflag:$0x1], $0x400, $0x38;
	[tilespmem:$0x18900] =	vst v63  }
0xad: {  	_ =	swait.ge [sflag:s11], $0x400  }
0xae: {  	p1 =	sne.s32 s21, $0x278;
	[sflag:s11] =	ssyncset.done $0x0  }
.Ltmp0:
0xaf: {  	[sflag:s11] =	ssyncadd.s32 $0xFFFFFC00;
	(pc) =	sbr.rel @p1 .LBB2_2-.Ltmp0, $4  }
0xb0: {  	[hbm4b:s20+s2] =	stream.linear.scatter [tilespmem:s17], [sflag:$0x1], $0x400, $0x38;
	[tilespmem:$0x18900] =	vst v63  }
0xb1: {  	_ =	swait.ge [sflag:s11], $0x400  }
0xb2: {  	s21 =	sadd.s32 $0x8, s21;
	[sflag:s11] =	ssyncset.done $0x0  }
0xb3: {  	s19 =	sadd.s32 $0x80, s19;
	s20 =	sadd.s32 $0x80, s20;
	[sflag:s11] =	ssyncadd.s32 $0xFFFFFC00  }
0xb4: {  	s18 =	sadd.s32 $0x1, s18  }
0xb5: {  	p1 =	sne.s32 s18, s4  }
.Ltmp1:
0xb6: {  	_ = 	snop;
	(pc) =	sbr.rel @p1 .LBB2_1-.Ltmp1, $1  }
0xb7: {  	_ =	sdelay $0x3  }
0xb8: {  	_ =	sfence.sel $0x180000  }
0xb9: {  	[bflag:$0x0] =	sbarrier.arrive $0xFFFF  }
0xba: {  	_ =	strace $0x90000047  }
0xbb: {  	s0 =	sadd.s32 @!p0 $0x100000, s0;
	[bflag:$0x2] =	sbarrier.arrive $0xFFFF  }
0xbc: {  	[sflag:s0] =	ssyncadd.tile.s32 @!p0 $0x1;
	_ =	shalt  }
.Lfunc_end2:
_tile_overlayer_lowered:
.L_overlay_start_2:
0xbd: {  	(tag) =	ssettag $0x2  }
0xbe: {  	s0 =	rddreg [dreg:$0x0];
	s2 =	stileid.u32  }
0xbf: {  	s1 =	rddreg [dreg:$0x1];
	p0 =	sne.s32 s2, $0x0  }
0xc0: {  	s3 =	rddreg [dreg:$0x2];
	[bflag:$0x3] =	sbarrier.arrive $0xFFFF;
	s2 =	simm.s32 @!p0 $0x1C01  }
0xc1: {  	[timem:s3], [sflag:s2] =	dma.local @!p0 [hbm:s0], s1  }
0xc2: {  	s0 =	simm.s32 @!p0 $0x1  }
0xc3: {  	_ =	swait.ge @!p0 [sflag:s0], s1  }
0xc4: {  	s1 =	ssub.s32 @!p0 $0x0, s1;
	[sflag:s0] =	ssyncset.done @!p0 $0x0  }
0xc5: {  	[sflag:s0] =	ssyncadd.s32 @!p0 s1  }
0xc6: {  	[bflag:$0x3] =	sbarrier.arrive $0xFFFF  }
0xc7: {  	_ =	shalt  }

</sc_bundles>
